<compile_context>
chip_gen: v7x
topology: tpu7x:2x2x1
jax: 0.10.2.dev20260603
libtpu: 0.0.44.dev20260713+nightly
codegen_flags: <defaults>
</compile_context>

<pallas_src>
import functools
import jax
import jax.numpy as jnp
from jax import lax
from jax.experimental import pallas as pl
from jax.experimental.pallas import tpu as pltpu
from jax.experimental.pallas import tpu_sc as plsc

_K = 8
_NBUF = 2


def kernel(input):
    B, C, H, W = input.shape
    NC, NS = 2, 16
    half = C // 2
    G = half // _K

    mesh = plsc.VectorSubcoreMesh(core_axis_name="c", subcore_axis_name="s")

    @functools.partial(
        pl.kernel,
        out_type=jax.ShapeDtypeStruct((B, C, H, W), jnp.float32),
        mesh=mesh,
        scratch_types=[
            pltpu.VMEM((_NBUF, _K, H, W), jnp.float32),
            pltpu.SemaphoreType.DMA((_NBUF,)),
            pltpu.SemaphoreType.DMA((_NBUF,)),
        ],
        compiler_params=pltpu.CompilerParams(use_tc_tiling_on_sc=True),
    )
    def _sc_reverse(x_hbm, o_hbm, bufs, rsem, wsem):
        wid = lax.axis_index("s") * NC + lax.axis_index("c")
        b = wid // 2
        c0 = (wid % 2) * half
        rb0 = C - c0 - half

        def fire_read(g):
            slot = lax.rem(g, _NBUF)
            rbase = rb0 + g * _K
            pltpu.async_copy(
                x_hbm.at[b, pl.ds(rbase, _K)], bufs.at[slot], rsem.at[slot]
            )

        def wait_read(g):
            slot = lax.rem(g, _NBUF)
            pltpu.make_async_copy(
                x_hbm.at[b, pl.ds(0, _K)], bufs.at[slot], rsem.at[slot]
            ).wait()

        def fire_writes(g):
            slot = lax.rem(g, _NBUF)
            rbase = rb0 + g * _K
            for k in range(_K):
                cout = C - 1 - (rbase + k)
                pltpu.async_copy(
                    bufs.at[slot, k], o_hbm.at[b, cout], wsem.at[slot]
                )

        def wait_writes(g):
            slot = lax.rem(g, _NBUF)
            for _ in range(_K):
                pltpu.make_async_copy(
                    bufs.at[slot, 0], o_hbm.at[b, 0], wsem.at[slot]
                ).wait()

        fire_read(0)

        def body(g, carry):
            nxt = g + 1

            @pl.when(nxt < G)
            def _():
                @pl.when(nxt >= _NBUF)
                def _():
                    wait_writes(nxt - _NBUF)

                fire_read(nxt)

            wait_read(g)
            fire_writes(g)
            return carry

        lax.fori_loop(0, G, body, 0)
        for j in range(_NBUF):
            wait_writes(G - _NBUF + j)

    return _sc_reverse(input)

# --- scband reference (transcript-rebuilt; emitter-appended) ---
"""Pipeline reference for scband-permute2d-33036888441309 (READ-ONLY COPY).

The authoritative reference and input builder live on the scoring server;
editing this copy changes nothing except your own understanding.
"""

import jax, jax.numpy as jnp
import numpy as np

NUM_CHANNELS = 768

def setup_inputs(seed: int = 0) -> dict:
    key = jax.random.key(seed)
    x = jax.random.normal(key, (16, NUM_CHANNELS, 56, 56), dtype=jnp.float32)
    return {"input": x}

def reference(input) -> jnp.ndarray:
    # Permute2d with shuffle=False: indices = arange(C-1, -1, -1) (channel reversal)
    # forward (reverse=False): input[:, indices, :, :]
    indices = jnp.arange(NUM_CHANNELS - 1, -1, -1, dtype=jnp.int32)
    return jnp.take(input, indices, axis=1)

if __name__ == "__main__":
    import jax
    _d = setup_inputs()
    print(jax.jit(kernel)(*tuple(_d.values())))

</pallas_src>

<mosaic_0001>
#map = affine_map<(d0, d1) -> (0, 0, 0, 0)>
module attributes {stable_mosaic.version = 14 : i64} {
  func.func @_sc_reverse(%arg0: i32, %arg1: i32, %arg2: memref<16x768x56x56xf32, #tpu.memory_space<hbm>>, %arg3: memref<16x768x56x56xf32, #tpu.memory_space<hbm>>, %arg4: memref<2x8x56x56xf32, #tpu.memory_space<vmem>>, %arg5: memref<2x!tpu.dma_semaphore, #tpu.memory_space<semaphore_mem>>, %arg6: memref<2x!tpu.dma_semaphore, #tpu.memory_space<semaphore_mem>>) attributes {dimension_semantics = [#tpu.dimension_semantics<core_parallel>, #tpu.dimension_semantics<subcore_parallel>], iteration_bounds = array<i64: 2, 16>, scalar_prefetch = 0 : i64, scratch_operands = 3 : i64, tpu.core_type = #tpu.core_type<sc_vector_subcore>, window_params = [{transform_indices = #map}, {transform_indices = #map}]} {
    %mul3A = arith.constant 2 : i32
    %mul3A_0 = arith.muli %arg1, %mul3A : i32
    %add3A = arith.addi %mul3A_0, %arg0 : i32
    %jit3A = arith.constant 2 : i32
    %div3A = arith.divsi %add3A, %jit3A : i32
    %sign3A = arith.constant 0 : i32
    %sign3A_1 = arith.cmpi sgt, %add3A, %sign3A : i32
    %sign3A_2 = arith.extui %sign3A_1 : i1 to i32
    %sign3A_3 = arith.constant 0 : i32
    %sign3A_4 = arith.cmpi slt, %add3A, %sign3A_3 : i32
    %sign3A_5 = arith.extui %sign3A_4 : i1 to i32
    %sign3A_6 = arith.subi %sign3A_2, %sign3A_5 : i32
    %sign3A_7 = arith.constant 0 : i32
    %sign3A_8 = arith.cmpi sgt, %jit3A, %sign3A_7 : i32
    %sign3A_9 = arith.extui %sign3A_8 : i1 to i32
    %sign3A_10 = arith.constant 0 : i32
    %sign3A_11 = arith.cmpi slt, %jit3A, %sign3A_10 : i32
    %sign3A_12 = arith.extui %sign3A_11 : i1 to i32
    %sign3A_13 = arith.subi %sign3A_9, %sign3A_12 : i32
    %ne3A = arith.cmpi ne, %sign3A_6, %sign3A_13 : i32
    %rem3A = arith.remsi %add3A, %jit3A : i32
    %ne3A_14 = arith.constant 0 : i32
    %ne3A_15 = arith.cmpi ne, %rem3A, %ne3A_14 : i32
    %and3A = arith.andi %ne3A, %ne3A_15 : i1
    %sub3A = arith.constant 1 : i32
    %sub3A_16 = arith.subi %div3A, %sub3A : i32
    %select_n3A = arith.select %and3A, %sub3A_16, %div3A : i32
    %jit3A_17 = arith.constant 2 : i32
    %eq3A = arith.constant 0 : i32
    %eq3A_18 = arith.cmpi eq, %jit3A_17, %eq3A : i32
    %jit3A_19 = arith.constant 1 : i32
    %select_n3A_20 = arith.select %eq3A_18, %jit3A_19, %jit3A_17 : i32
    %rem3A_21 = arith.remsi %add3A, %select_n3A_20 : i32
    %ne3A_22 = arith.constant 0 : i32
    %ne3A_23 = arith.cmpi ne, %rem3A_21, %ne3A_22 : i32
    %lt3A = arith.constant 0 : i32
    %lt3A_24 = arith.cmpi slt, %rem3A_21, %lt3A : i32
    %lt3A_25 = arith.constant 0 : i32
    %lt3A_26 = arith.cmpi slt, %select_n3A_20, %lt3A_25 : i32
    %ne3A_27 = arith.xori %lt3A_24, %lt3A_26 : i1
    %and3A_28 = arith.andi %ne3A_27, %ne3A_23 : i1
    %add3A_29 = arith.addi %rem3A_21, %select_n3A_20 : i32
    %select_n3A_30 = arith.select %and3A_28, %add3A_29, %rem3A_21 : i32
    %mul3A_31 = arith.constant 384 : i32
    %mul3A_32 = arith.muli %select_n3A_30, %mul3A_31 : i32
    %sub3A_33 = arith.constant 768 : i32
    %sub3A_34 = arith.subi %sub3A_33, %mul3A_32 : i32
    %sub3A_35 = arith.constant 384 : i32
    %sub3A_36 = arith.subi %sub3A_34, %sub3A_35 : i32
    %rem3A_37 = arith.constant 0 : i32
    %rem3A_38 = arith.constant 2 : i32
    %rem3A_39 = arith.remsi %rem3A_37, %rem3A_38 : i32
    %add3A_40 = arith.constant 0 : i32
    %add3A_41 = arith.addi %sub3A_36, %add3A_40 : i32
    %dma_start3A = arith.constant 0 : i32
    %dma_start3A_42 = arith.constant 0 : i32
    %dma_start3A_43 = arith.constant 0 : i32
    %dma_start3A_44 = tpu.memref_slice %arg4[%rem3A_39, %dma_start3A, %dma_start3A_42, %dma_start3A_43] : memref<2x8x56x56xf32, #tpu.memory_space<vmem>> -> memref<1x8x56x56xf32, #tpu.memory_space<vmem>>
    %dma_start3A_45 = tpu.memref_squeeze %dma_start3A_44 : memref<1x8x56x56xf32, #tpu.memory_space<vmem>> -> memref<8x56x56xf32, #tpu.memory_space<vmem>>
    %dma_start3A_46 = arith.constant 0 : i32
    %dma_start3A_47 = arith.constant 0 : i32
    %dma_start3A_48 = tpu.memref_slice %arg2[%select_n3A, %add3A_41, %dma_start3A_46, %dma_start3A_47] : memref<16x768x56x56xf32, #tpu.memory_space<hbm>> -> memref<1x8x56x56xf32, #tpu.memory_space<hbm>>
    %dma_start3A_49 = tpu.memref_squeeze %dma_start3A_48 : memref<1x8x56x56xf32, #tpu.memory_space<hbm>> -> memref<8x56x56xf32, #tpu.memory_space<hbm>>
    %dma_start3A_50 = tpu.memref_slice %arg5[%rem3A_39] : memref<2x!tpu.dma_semaphore, #tpu.memory_space<semaphore_mem>> -> memref<1x!tpu.dma_semaphore, #tpu.memory_space<semaphore_mem>>
    %dma_start3A_51 = tpu.memref_squeeze %dma_start3A_50 : memref<1x!tpu.dma_semaphore, #tpu.memory_space<semaphore_mem>> -> memref<!tpu.dma_semaphore, #tpu.memory_space<semaphore_mem>>
    %dma_start3A_52 = arith.constant 0 : i32
    %dma_start3A_53 = arith.constant 0 : i32
    %dma_start3A_54 = arith.constant 0 : i32
    %dma_start3A_55 = tpu.memref_slice %arg4[%rem3A_39, %dma_start3A_52, %dma_start3A_53, %dma_start3A_54] : memref<2x8x56x56xf32, #tpu.memory_space<vmem>> -> memref<1x8x56x56xf32, #tpu.memory_space<vmem>>
    %dma_start3A_56 = tpu.memref_squeeze %dma_start3A_55 : memref<1x8x56x56xf32, #tpu.memory_space<vmem>> -> memref<8x56x56xf32, #tpu.memory_space<vmem>>
    %dma_start3A_57 = arith.constant 0 : i32
    %dma_start3A_58 = arith.constant 0 : i32
    %dma_start3A_59 = tpu.memref_slice %arg2[%select_n3A, %add3A_41, %dma_start3A_57, %dma_start3A_58] : memref<16x768x56x56xf32, #tpu.memory_space<hbm>> -> memref<1x8x56x56xf32, #tpu.memory_space<hbm>>
    %dma_start3A_60 = tpu.memref_squeeze %dma_start3A_59 : memref<1x8x56x56xf32, #tpu.memory_space<hbm>> -> memref<8x56x56xf32, #tpu.memory_space<hbm>>
    tpu.enqueue_dma source(%dma_start3A_60 : memref<8x56x56xf32, #tpu.memory_space<hbm>>) target(%dma_start3A_56 : memref<8x56x56xf32, #tpu.memory_space<vmem>>) target_semaphore(%dma_start3A_51 : memref<!tpu.dma_semaphore, #tpu.memory_space<semaphore_mem>>)
    %scan3A = arith.constant 0 : i32
    %scan3A_61 = arith.constant 0 : i32
    %scan3A_62 = arith.constant 48 : i32
    %scan3A_63 = arith.addi %scan3A_61, %scan3A_62 : i32
    %scan3A_64 = arith.constant 1 : i32
    scf.for %scan3A_391 = %scan3A_61 to %scan3A_63 step %scan3A_64  : i32 {
      %add3A_392 = arith.constant 1 : i32
      %add3A_393 = arith.addi %scan3A_391, %add3A_392 : i32
      %lt3A_394 = arith.constant 48 : i32
      %lt3A_395 = arith.cmpi slt, %add3A_393, %lt3A_394 : i32
      %convert_element_type3A = arith.extui %lt3A_395 : i1 to i32
      %cond3A = arith.constant 0 : i32
      %cond3A_396 = arith.cmpi ne, %convert_element_type3A, %cond3A : i32
      scf.if %cond3A_396 {
        %ge3A = arith.constant 2 : i32
        %ge3A_610 = arith.cmpi sge, %add3A_393, %ge3A : i32
        %convert_element_type3A_611 = arith.extui %ge3A_610 : i1 to i32
        %cond3A_612 = arith.constant 0 : i32
        %cond3A_613 = arith.cmpi ne, %convert_element_type3A_611, %cond3A_612 : i32
        scf.if %cond3A_613 {
          %sub3A_639 = arith.constant 2 : i32
          %sub3A_640 = arith.subi %add3A_393, %sub3A_639 : i32
          %rem3A_641 = arith.constant 2 : i32
          %rem3A_642 = arith.remsi %sub3A_640, %rem3A_641 : i32
          %dma_wait3A_643 = arith.constant 0 : i32
          %dma_wait3A_644 = arith.constant 0 : i32
          %dma_wait3A_645 = arith.constant 0 : i32
          %dma_wait3A_646 = arith.constant 0 : i32
          %dma_wait3A_647 = tpu.memref_slice %arg4[%rem3A_642, %dma_wait3A_643, %dma_wait3A_645, %dma_wait3A_646] : memref<2x8x56x56xf32, #tpu.memory_space<vmem>> -> memref<1x1x56x56xf32, #tpu.memory_space<vmem>>
          %dma_wait3A_648 = tpu.memref_squeeze %dma_wait3A_647 : memref<1x1x56x56xf32, #tpu.memory_space<vmem>> -> memref<56x56xf32, #tpu.memory_space<vmem>>
          %dma_wait3A_649 = arith.constant 0 : i32
          %dma_wait3A_650 = arith.constant 0 : i32
          %dma_wait3A_651 = tpu.memref_slice %arg3[%select_n3A, %dma_wait3A_644, %dma_wait3A_649, %dma_wait3A_650] : memref<16x768x56x56xf32, #tpu.memory_space<hbm>> -> memref<1x1x56x56xf32, #tpu.memory_space<hbm>>
          %dma_wait3A_652 = tpu.memref_squeeze %dma_wait3A_651 : memref<1x1x56x56xf32, #tpu.memory_space<hbm>> -> memref<56x56xf32, #tpu.memory_space<hbm>>
          %dma_wait3A_653 = tpu.memref_slice %arg6[%rem3A_642] : memref<2x!tpu.dma_semaphore, #tpu.memory_space<semaphore_mem>> -> memref<1x!tpu.dma_semaphore, #tpu.memory_space<semaphore_mem>>
          %dma_wait3A_654 = tpu.memref_squeeze %dma_wait3A_653 : memref<1x!tpu.dma_semaphore, #tpu.memory_space<semaphore_mem>> -> memref<!tpu.dma_semaphore, #tpu.memory_space<semaphore_mem>>
          %dma_wait3A_655 = arith.constant 0 : i32
          %dma_wait3A_656 = arith.constant 0 : i32
          %dma_wait3A_657 = tpu.memref_slice %arg3[%select_n3A, %dma_wait3A_644, %dma_wait3A_655, %dma_wait3A_656] : memref<16x768x56x56xf32, #tpu.memory_space<hbm>> -> memref<1x1x56x56xf32, #tpu.memory_space<hbm>>
          %dma_wait3A_658 = tpu.memref_squeeze %dma_wait3A_657 : memref<1x1x56x56xf32, #tpu.memory_space<hbm>> -> memref<56x56xf32, #tpu.memory_space<hbm>>
          %dma_wait3A_659 = arith.constant 0 : i32
          %dma_wait3A_660 = arith.constant 0 : i32
          %dma_wait3A_661 = tpu.memref_slice %arg4[%rem3A_642, %dma_wait3A_643, %dma_wait3A_659, %dma_wait3A_660] : memref<2x8x56x56xf32, #tpu.memory_space<vmem>> -> memref<1x1x56x56xf32, #tpu.memory_space<vmem>>
          %dma_wait3A_662 = tpu.memref_squeeze %dma_wait3A_661 : memref<1x1x56x56xf32, #tpu.memory_space<vmem>> -> memref<56x56xf32, #tpu.memory_space<vmem>>
          tpu.wait_dma2 semaphore(%dma_wait3A_654 : memref<!tpu.dma_semaphore, #tpu.memory_space<semaphore_mem>>) src(%dma_wait3A_662 : memref<56x56xf32, #tpu.memory_space<vmem>>) dst(%dma_wait3A_658 : memref<56x56xf32, #tpu.memory_space<hbm>>)
          %dma_wait3A_663 = arith.constant 0 : i32
          %dma_wait3A_664 = arith.constant 0 : i32
          %dma_wait3A_665 = arith.constant 0 : i32
          %dma_wait3A_666 = arith.constant 0 : i32
          %dma_wait3A_667 = tpu.memref_slice %arg4[%rem3A_642, %dma_wait3A_663, %dma_wait3A_665, %dma_wait3A_666] : memref<2x8x56x56xf32, #tpu.memory_space<vmem>> -> memref<1x1x56x56xf32, #tpu.memory_space<vmem>>
          %dma_wait3A_668 = tpu.memref_squeeze %dma_wait3A_667 : memref<1x1x56x56xf32, #tpu.memory_space<vmem>> -> memref<56x56xf32, #tpu.memory_space<vmem>>
          %dma_wait3A_669 = arith.constant 0 : i32
          %dma_wait3A_670 = arith.constant 0 : i32
          %dma_wait3A_671 = tpu.memref_slice %arg3[%select_n3A, %dma_wait3A_664, %dma_wait3A_669, %dma_wait3A_670] : memref<16x768x56x56xf32, #tpu.memory_space<hbm>> -> memref<1x1x56x56xf32, #tpu.memory_space<hbm>>
          %dma_wait3A_672 = tpu.memref_squeeze %dma_wait3A_671 : memref<1x1x56x56xf32, #tpu.memory_space<hbm>> -> memref<56x56xf32, #tpu.memory_space<hbm>>
          %dma_wait3A_673 = tpu.memref_slice %arg6[%rem3A_642] : memref<2x!tpu.dma_semaphore, #tpu.memory_space<semaphore_mem>> -> memref<1x!tpu.dma_semaphore, #tpu.memory_space<semaphore_mem>>
          %dma_wait3A_674 = tpu.memref_squeeze %dma_wait3A_673 : memref<1x!tpu.dma_semaphore, #tpu.memory_space<semaphore_mem>> -> memref<!tpu.dma_semaphore, #tpu.memory_space<semaphore_mem>>
          %dma_wait3A_675 = arith.constant 0 : i32
          %dma_wait3A_676 = arith.constant 0 : i32
          %dma_wait3A_677 = tpu.memref_slice %arg3[%select_n3A, %dma_wait3A_664, %dma_wait3A_675, %dma_wait3A_676] : memref<16x768x56x56xf32, #tpu.memory_space<hbm>> -> memref<1x1x56x56xf32, #tpu.memory_space<hbm>>
          %dma_wait3A_678 = tpu.memref_squeeze %dma_wait3A_677 : memref<1x1x56x56xf32, #tpu.memory_space<hbm>> -> memref<56x56xf32, #tpu.memory_space<hbm>>
          %dma_wait3A_679 = arith.constant 0 : i32
          %dma_wait3A_680 = arith.constant 0 : i32
          %dma_wait3A_681 = tpu.memref_slice %arg4[%rem3A_642, %dma_wait3A_663, %dma_wait3A_679, %dma_wait3A_680] : memref<2x8x56x56xf32, #tpu.memory_space<vmem>> -> memref<1x1x56x56xf32, #tpu.memory_space<vmem>>
          %dma_wait3A_682 = tpu.memref_squeeze %dma_wait3A_681 : memref<1x1x56x56xf32, #tpu.memory_space<vmem>> -> memref<56x56xf32, #tpu.memory_space<vmem>>
          tpu.wait_dma2 semaphore(%dma_wait3A_674 : memref<!tpu.dma_semaphore, #tpu.memory_space<semaphore_mem>>) src(%dma_wait3A_682 : memref<56x56xf32, #tpu.memory_space<vmem>>) dst(%dma_wait3A_678 : memref<56x56xf32, #tpu.memory_space<hbm>>)
          %dma_wait3A_683 = arith.constant 0 : i32
          %dma_wait3A_684 = arith.constant 0 : i32
          %dma_wait3A_685 = arith.constant 0 : i32
          %dma_wait3A_686 = arith.constant 0 : i32
          %dma_wait3A_687 = tpu.memref_slice %arg4[%rem3A_642, %dma_wait3A_683, %dma_wait3A_685, %dma_wait3A_686] : memref<2x8x56x56xf32, #tpu.memory_space<vmem>> -> memref<1x1x56x56xf32, #tpu.memory_space<vmem>>
          %dma_wait3A_688 = tpu.memref_squeeze %dma_wait3A_687 : memref<1x1x56x56xf32, #tpu.memory_space<vmem>> -> memref<56x56xf32, #tpu.memory_space<vmem>>
          %dma_wait3A_689 = arith.constant 0 : i32
          %dma_wait3A_690 = arith.constant 0 : i32
          %dma_wait3A_691 = tpu.memref_slice %arg3[%select_n3A, %dma_wait3A_684, %dma_wait3A_689, %dma_wait3A_690] : memref<16x768x56x56xf32, #tpu.memory_space<hbm>> -> memref<1x1x56x56xf32, #tpu.memory_space<hbm>>
          %dma_wait3A_692 = tpu.memref_squeeze %dma_wait3A_691 : memref<1x1x56x56xf32, #tpu.memory_space<hbm>> -> memref<56x56xf32, #tpu.memory_space<hbm>>
          %dma_wait3A_693 = tpu.memref_slice %arg6[%rem3A_642] : memref<2x!tpu.dma_semaphore, #tpu.memory_space<semaphore_mem>> -> memref<1x!tpu.dma_semaphore, #tpu.memory_space<semaphore_mem>>
          %dma_wait3A_694 = tpu.memref_squeeze %dma_wait3A_693 : memref<1x!tpu.dma_semaphore, #tpu.memory_space<semaphore_mem>> -> memref<!tpu.dma_semaphore, #tpu.memory_space<semaphore_mem>>
          %dma_wait3A_695 = arith.constant 0 : i32
          %dma_wait3A_696 = arith.constant 0 : i32
          %dma_wait3A_697 = tpu.memref_slice %arg3[%select_n3A, %dma_wait3A_684, %dma_wait3A_695, %dma_wait3A_696] : memref<16x768x56x56xf32, #tpu.memory_space<hbm>> -> memref<1x1x56x56xf32, #tpu.memory_space<hbm>>
          %dma_wait3A_698 = tpu.memref_squeeze %dma_wait3A_697 : memref<1x1x56x56xf32, #tpu.memory_space<hbm>> -> memref<56x56xf32, #tpu.memory_space<hbm>>
          %dma_wait3A_699 = arith.constant 0 : i32
          %dma_wait3A_700 = arith.constant 0 : i32
          %dma_wait3A_701 = tpu.memref_slice %arg4[%rem3A_642, %dma_wait3A_683, %dma_wait3A_699, %dma_wait3A_700] : memref<2x8x56x56xf32, #tpu.memory_space<vmem>> -> memref<1x1x56x56xf32, #tpu.memory_space<vmem>>
          %dma_wait3A_702 = tpu.memref_squeeze %dma_wait3A_701 : memref<1x1x56x56xf32, #tpu.memory_space<vmem>> -> memref<56x56xf32, #tpu.memory_space<vmem>>
          tpu.wait_dma2 semaphore(%dma_wait3A_694 : memref<!tpu.dma_semaphore, #tpu.memory_space<semaphore_mem>>) src(%dma_wait3A_702 : memref<56x56xf32, #tpu.memory_space<vmem>>) dst(%dma_wait3A_698 : memref<56x56xf32, #tpu.memory_space<hbm>>)
          %dma_wait3A_703 = arith.constant 0 : i32
          %dma_wait3A_704 = arith.constant 0 : i32
          %dma_wait3A_705 = arith.constant 0 : i32
          %dma_wait3A_706 = arith.constant 0 : i32
          %dma_wait3A_707 = tpu.memref_slice %arg4[%rem3A_642, %dma_wait3A_703, %dma_wait3A_705, %dma_wait3A_706] : memref<2x8x56x56xf32, #tpu.memory_space<vmem>> -> memref<1x1x56x56xf32, #tpu.memory_space<vmem>>
          %dma_wait3A_708 = tpu.memref_squeeze %dma_wait3A_707 : memref<1x1x56x56xf32, #tpu.memory_space<vmem>> -> memref<56x56xf32, #tpu.memory_space<vmem>>
          %dma_wait3A_709 = arith.constant 0 : i32
          %dma_wait3A_710 = arith.constant 0 : i32
          %dma_wait3A_711 = tpu.memref_slice %arg3[%select_n3A, %dma_wait3A_704, %dma_wait3A_709, %dma_wait3A_710] : memref<16x768x56x56xf32, #tpu.memory_space<hbm>> -> memref<1x1x56x56xf32, #tpu.memory_space<hbm>>
          %dma_wait3A_712 = tpu.memref_squeeze %dma_wait3A_711 : memref<1x1x56x56xf32, #tpu.memory_space<hbm>> -> memref<56x56xf32, #tpu.memory_space<hbm>>
          %dma_wait3A_713 = tpu.memref_slice %arg6[%rem3A_642] : memref<2x!tpu.dma_semaphore, #tpu.memory_space<semaphore_mem>> -> memref<1x!tpu.dma_semaphore, #tpu.memory_space<semaphore_mem>>
          %dma_wait3A_714 = tpu.memref_squeeze %dma_wait3A_713 : memref<1x!tpu.dma_semaphore, #tpu.memory_space<semaphore_mem>> -> memref<!tpu.dma_semaphore, #tpu.memory_space<semaphore_mem>>
          %dma_wait3A_715 = arith.constant 0 : i32
          %dma_wait3A_716 = arith.constant 0 : i32
          %dma_wait3A_717 = tpu.memref_slice %arg3[%select_n3A, %dma_wait3A_704, %dma_wait3A_715, %dma_wait3A_716] : memref<16x768x56x56xf32, #tpu.memory_space<hbm>> -> memref<1x1x56x56xf32, #tpu.memory_space<hbm>>
          %dma_wait3A_718 = tpu.memref_squeeze %dma_wait3A_717 : memref<1x1x56x56xf32, #tpu.memory_space<hbm>> -> memref<56x56xf32, #tpu.memory_space<hbm>>
          %dma_wait3A_719 = arith.constant 0 : i32
          %dma_wait3A_720 = arith.constant 0 : i32
          %dma_wait3A_721 = tpu.memref_slice %arg4[%rem3A_642, %dma_wait3A_703, %dma_wait3A_719, %dma_wait3A_720] : memref<2x8x56x56xf32, #tpu.memory_space<vmem>> -> memref<1x1x56x56xf32, #tpu.memory_space<vmem>>
          %dma_wait3A_722 = tpu.memref_squeeze %dma_wait3A_721 : memref<1x1x56x56xf32, #tpu.memory_space<vmem>> -> memref<56x56xf32, #tpu.memory_space<vmem>>
          tpu.wait_dma2 semaphore(%dma_wait3A_714 : memref<!tpu.dma_semaphore, #tpu.memory_space<semaphore_mem>>) src(%dma_wait3A_722 : memref<56x56xf32, #tpu.memory_space<vmem>>) dst(%dma_wait3A_718 : memref<56x56xf32, #tpu.memory_space<hbm>>)
          %dma_wait3A_723 = arith.constant 0 : i32
          %dma_wait3A_724 = arith.constant 0 : i32
          %dma_wait3A_725 = arith.constant 0 : i32
          %dma_wait3A_726 = arith.constant 0 : i32
          %dma_wait3A_727 = tpu.memref_slice %arg4[%rem3A_642, %dma_wait3A_723, %dma_wait3A_725, %dma_wait3A_726] : memref<2x8x56x56xf32, #tpu.memory_space<vmem>> -> memref<1x1x56x56xf32, #tpu.memory_space<vmem>>
          %dma_wait3A_728 = tpu.memref_squeeze %dma_wait3A_727 : memref<1x1x56x56xf32, #tpu.memory_space<vmem>> -> memref<56x56xf32, #tpu.memory_space<vmem>>
          %dma_wait3A_729 = arith.constant 0 : i32
          %dma_wait3A_730 = arith.constant 0 : i32
          %dma_wait3A_731 = tpu.memref_slice %arg3[%select_n3A, %dma_wait3A_724, %dma_wait3A_729, %dma_wait3A_730] : memref<16x768x56x56xf32, #tpu.memory_space<hbm>> -> memref<1x1x56x56xf32, #tpu.memory_space<hbm>>
          %dma_wait3A_732 = tpu.memref_squeeze %dma_wait3A_731 : memref<1x1x56x56xf32, #tpu.memory_space<hbm>> -> memref<56x56xf32, #tpu.memory_space<hbm>>
          %dma_wait3A_733 = tpu.memref_slice %arg6[%rem3A_642] : memref<2x!tpu.dma_semaphore, #tpu.memory_space<semaphore_mem>> -> memref<1x!tpu.dma_semaphore, #tpu.memory_space<semaphore_mem>>
          %dma_wait3A_734 = tpu.memref_squeeze %dma_wait3A_733 : memref<1x!tpu.dma_semaphore, #tpu.memory_space<semaphore_mem>> -> memref<!tpu.dma_semaphore, #tpu.memory_space<semaphore_mem>>
          %dma_wait3A_735 = arith.constant 0 : i32
          %dma_wait3A_736 = arith.constant 0 : i32
          %dma_wait3A_737 = tpu.memref_slice %arg3[%select_n3A, %dma_wait3A_724, %dma_wait3A_735, %dma_wait3A_736] : memref<16x768x56x56xf32, #tpu.memory_space<hbm>> -> memref<1x1x56x56xf32, #tpu.memory_space<hbm>>
          %dma_wait3A_738 = tpu.memref_squeeze %dma_wait3A_737 : memref<1x1x56x56xf32, #tpu.memory_space<hbm>> -> memref<56x56xf32, #tpu.memory_space<hbm>>
          %dma_wait3A_739 = arith.constant 0 : i32
          %dma_wait3A_740 = arith.constant 0 : i32
          %dma_wait3A_741 = tpu.memref_slice %arg4[%rem3A_642, %dma_wait3A_723, %dma_wait3A_739, %dma_wait3A_740] : memref<2x8x56x56xf32, #tpu.memory_space<vmem>> -> memref<1x1x56x56xf32, #tpu.memory_space<vmem>>
          %dma_wait3A_742 = tpu.memref_squeeze %dma_wait3A_741 : memref<1x1x56x56xf32, #tpu.memory_space<vmem>> -> memref<56x56xf32, #tpu.memory_space<vmem>>
          tpu.wait_dma2 semaphore(%dma_wait3A_734 : memref<!tpu.dma_semaphore, #tpu.memory_space<semaphore_mem>>) src(%dma_wait3A_742 : memref<56x56xf32, #tpu.memory_space<vmem>>) dst(%dma_wait3A_738 : memref<56x56xf32, #tpu.memory_space<hbm>>)
          %dma_wait3A_743 = arith.constant 0 : i32
          %dma_wait3A_744 = arith.constant 0 : i32
          %dma_wait3A_745 = arith.constant 0 : i32
          %dma_wait3A_746 = arith.constant 0 : i32
          %dma_wait3A_747 = tpu.memref_slice %arg4[%rem3A_642, %dma_wait3A_743, %dma_wait3A_745, %dma_wait3A_746] : memref<2x8x56x56xf32, #tpu.memory_space<vmem>> -> memref<1x1x56x56xf32, #tpu.memory_space<vmem>>
          %dma_wait3A_748 = tpu.memref_squeeze %dma_wait3A_747 : memref<1x1x56x56xf32, #tpu.memory_space<vmem>> -> memref<56x56xf32, #tpu.memory_space<vmem>>
          %dma_wait3A_749 = arith.constant 0 : i32
          %dma_wait3A_750 = arith.constant 0 : i32
          %dma_wait3A_751 = tpu.memref_slice %arg3[%select_n3A, %dma_wait3A_744, %dma_wait3A_749, %dma_wait3A_750] : memref<16x768x56x56xf32, #tpu.memory_space<hbm>> -> memref<1x1x56x56xf32, #tpu.memory_space<hbm>>
          %dma_wait3A_752 = tpu.memref_squeeze %dma_wait3A_751 : memref<1x1x56x56xf32, #tpu.memory_space<hbm>> -> memref<56x56xf32, #tpu.memory_space<hbm>>
          %dma_wait3A_753 = tpu.memref_slice %arg6[%rem3A_642] : memref<2x!tpu.dma_semaphore, #tpu.memory_space<semaphore_mem>> -> memref<1x!tpu.dma_semaphore, #tpu.memory_space<semaphore_mem>>
          %dma_wait3A_754 = tpu.memref_squeeze %dma_wait3A_753 : memref<1x!tpu.dma_semaphore, #tpu.memory_space<semaphore_mem>> -> memref<!tpu.dma_semaphore, #tpu.memory_space<semaphore_mem>>
          %dma_wait3A_755 = arith.constant 0 : i32
          %dma_wait3A_756 = arith.constant 0 : i32
          %dma_wait3A_757 = tpu.memref_slice %arg3[%select_n3A, %dma_wait3A_744, %dma_wait3A_755, %dma_wait3A_756] : memref<16x768x56x56xf32, #tpu.memory_space<hbm>> -> memref<1x1x56x56xf32, #tpu.memory_space<hbm>>
          %dma_wait3A_758 = tpu.memref_squeeze %dma_wait3A_757 : memref<1x1x56x56xf32, #tpu.memory_space<hbm>> -> memref<56x56xf32, #tpu.memory_space<hbm>>
          %dma_wait3A_759 = arith.constant 0 : i32
          %dma_wait3A_760 = arith.constant 0 : i32
          %dma_wait3A_761 = tpu.memref_slice %arg4[%rem3A_642, %dma_wait3A_743, %dma_wait3A_759, %dma_wait3A_760] : memref<2x8x56x56xf32, #tpu.memory_space<vmem>> -> memref<1x1x56x56xf32, #tpu.memory_space<vmem>>
          %dma_wait3A_762 = tpu.memref_squeeze %dma_wait3A_761 : memref<1x1x56x56xf32, #tpu.memory_space<vmem>> -> memref<56x56xf32, #tpu.memory_space<vmem>>
          tpu.wait_dma2 semaphore(%dma_wait3A_754 : memref<!tpu.dma_semaphore, #tpu.memory_space<semaphore_mem>>) src(%dma_wait3A_762 : memref<56x56xf32, #tpu.memory_space<vmem>>) dst(%dma_wait3A_758 : memref<56x56xf32, #tpu.memory_space<hbm>>)
          %dma_wait3A_763 = arith.constant 0 : i32
          %dma_wait3A_764 = arith.constant 0 : i32
          %dma_wait3A_765 = arith.constant 0 : i32
          %dma_wait3A_766 = arith.constant 0 : i32
          %dma_wait3A_767 = tpu.memref_slice %arg4[%rem3A_642, %dma_wait3A_763, %dma_wait3A_765, %dma_wait3A_766] : memref<2x8x56x56xf32, #tpu.memory_space<vmem>> -> memref<1x1x56x56xf32, #tpu.memory_space<vmem>>
          %dma_wait3A_768 = tpu.memref_squeeze %dma_wait3A_767 : memref<1x1x56x56xf32, #tpu.memory_space<vmem>> -> memref<56x56xf32, #tpu.memory_space<vmem>>
          %dma_wait3A_769 = arith.constant 0 : i32
          %dma_wait3A_770 = arith.constant 0 : i32
          %dma_wait3A_771 = tpu.memref_slice %arg3[%select_n3A, %dma_wait3A_764, %dma_wait3A_769, %dma_wait3A_770] : memref<16x768x56x56xf32, #tpu.memory_space<hbm>> -> memref<1x1x56x56xf32, #tpu.memory_space<hbm>>
          %dma_wait3A_772 = tpu.memref_squeeze %dma_wait3A_771 : memref<1x1x56x56xf32, #tpu.memory_space<hbm>> -> memref<56x56xf32, #tpu.memory_space<hbm>>
          %dma_wait3A_773 = tpu.memref_slice %arg6[%rem3A_642] : memref<2x!tpu.dma_semaphore, #tpu.memory_space<semaphore_mem>> -> memref<1x!tpu.dma_semaphore, #tpu.memory_space<semaphore_mem>>
          %dma_wait3A_774 = tpu.memref_squeeze %dma_wait3A_773 : memref<1x!tpu.dma_semaphore, #tpu.memory_space<semaphore_mem>> -> memref<!tpu.dma_semaphore, #tpu.memory_space<semaphore_mem>>
          %dma_wait3A_775 = arith.constant 0 : i32
          %dma_wait3A_776 = arith.constant 0 : i32
          %dma_wait3A_777 = tpu.memref_slice %arg3[%select_n3A, %dma_wait3A_764, %dma_wait3A_775, %dma_wait3A_776] : memref<16x768x56x56xf32, #tpu.memory_space<hbm>> -> memref<1x1x56x56xf32, #tpu.memory_space<hbm>>
          %dma_wait3A_778 = tpu.memref_squeeze %dma_wait3A_777 : memref<1x1x56x56xf32, #tpu.memory_space<hbm>> -> memref<56x56xf32, #tpu.memory_space<hbm>>
          %dma_wait3A_779 = arith.constant 0 : i32
          %dma_wait3A_780 = arith.constant 0 : i32
          %dma_wait3A_781 = tpu.memref_slice %arg4[%rem3A_642, %dma_wait3A_763, %dma_wait3A_779, %dma_wait3A_780] : memref<2x8x56x56xf32, #tpu.memory_space<vmem>> -> memref<1x1x56x56xf32, #tpu.memory_space<vmem>>
          %dma_wait3A_782 = tpu.memref_squeeze %dma_wait3A_781 : memref<1x1x56x56xf32, #tpu.memory_space<vmem>> -> memref<56x56xf32, #tpu.memory_space<vmem>>
          tpu.wait_dma2 semaphore(%dma_wait3A_774 : memref<!tpu.dma_semaphore, #tpu.memory_space<semaphore_mem>>) src(%dma_wait3A_782 : memref<56x56xf32, #tpu.memory_space<vmem>>) dst(%dma_wait3A_778 : memref<56x56xf32, #tpu.memory_space<hbm>>)
          %dma_wait3A_783 = arith.constant 0 : i32
          %dma_wait3A_784 = arith.constant 0 : i32
          %dma_wait3A_785 = arith.constant 0 : i32
          %dma_wait3A_786 = arith.constant 0 : i32
          %dma_wait3A_787 = tpu.memref_slice %arg4[%rem3A_642, %dma_wait3A_783, %dma_wait3A_785, %dma_wait3A_786] : memref<2x8x56x56xf32, #tpu.memory_space<vmem>> -> memref<1x1x56x56xf32, #tpu.memory_space<vmem>>
          %dma_wait3A_788 = tpu.memref_squeeze %dma_wait3A_787 : memref<1x1x56x56xf32, #tpu.memory_space<vmem>> -> memref<56x56xf32, #tpu.memory_space<vmem>>
          %dma_wait3A_789 = arith.constant 0 : i32
          %dma_wait3A_790 = arith.constant 0 : i32
          %dma_wait3A_791 = tpu.memref_slice %arg3[%select_n3A, %dma_wait3A_784, %dma_wait3A_789, %dma_wait3A_790] : memref<16x768x56x56xf32, #tpu.memory_space<hbm>> -> memref<1x1x56x56xf32, #tpu.memory_space<hbm>>
          %dma_wait3A_792 = tpu.memref_squeeze %dma_wait3A_791 : memref<1x1x56x56xf32, #tpu.memory_space<hbm>> -> memref<56x56xf32, #tpu.memory_space<hbm>>
          %dma_wait3A_793 = tpu.memref_slice %arg6[%rem3A_642] : memref<2x!tpu.dma_semaphore, #tpu.memory_space<semaphore_mem>> -> memref<1x!tpu.dma_semaphore, #tpu.memory_space<semaphore_mem>>
          %dma_wait3A_794 = tpu.memref_squeeze %dma_wait3A_793 : memref<1x!tpu.dma_semaphore, #tpu.memory_space<semaphore_mem>> -> memref<!tpu.dma_semaphore, #tpu.memory_space<semaphore_mem>>
          %dma_wait3A_795 = arith.constant 0 : i32
          %dma_wait3A_796 = arith.constant 0 : i32
          %dma_wait3A_797 = tpu.memref_slice %arg3[%select_n3A, %dma_wait3A_784, %dma_wait3A_795, %dma_wait3A_796] : memref<16x768x56x56xf32, #tpu.memory_space<hbm>> -> memref<1x1x56x56xf32, #tpu.memory_space<hbm>>
          %dma_wait3A_798 = tpu.memref_squeeze %dma_wait3A_797 : memref<1x1x56x56xf32, #tpu.memory_space<hbm>> -> memref<56x56xf32, #tpu.memory_space<hbm>>
          %dma_wait3A_799 = arith.constant 0 : i32
          %dma_wait3A_800 = arith.constant 0 : i32
          %dma_wait3A_801 = tpu.memref_slice %arg4[%rem3A_642, %dma_wait3A_783, %dma_wait3A_799, %dma_wait3A_800] : memref<2x8x56x56xf32, #tpu.memory_space<vmem>> -> memref<1x1x56x56xf32, #tpu.memory_space<vmem>>
          %dma_wait3A_802 = tpu.memref_squeeze %dma_wait3A_801 : memref<1x1x56x56xf32, #tpu.memory_space<vmem>> -> memref<56x56xf32, #tpu.memory_space<vmem>>
          tpu.wait_dma2 semaphore(%dma_wait3A_794 : memref<!tpu.dma_semaphore, #tpu.memory_space<semaphore_mem>>) src(%dma_wait3A_802 : memref<56x56xf32, #tpu.memory_space<vmem>>) dst(%dma_wait3A_798 : memref<56x56xf32, #tpu.memory_space<hbm>>)
        } else {
        }
        %rem3A_614 = arith.constant 2 : i32
        %rem3A_615 = arith.remsi %add3A_393, %rem3A_614 : i32
        %mul3A_616 = arith.constant 8 : i32
        %mul3A_617 = arith.muli %add3A_393, %mul3A_616 : i32
        %add3A_618 = arith.addi %sub3A_36, %mul3A_617 : i32
        %dma_start3A_619 = arith.constant 0 : i32
        %dma_start3A_620 = arith.constant 0 : i32
        %dma_start3A_621 = arith.constant 0 : i32
        %dma_start3A_622 = tpu.memref_slice %arg4[%rem3A_615, %dma_start3A_619, %dma_start3A_620, %dma_start3A_621] : memref<2x8x56x56xf32, #tpu.memory_space<vmem>> -> memref<1x8x56x56xf32, #tpu.memory_space<vmem>>
        %dma_start3A_623 = tpu.memref_squeeze %dma_start3A_622 : memref<1x8x56x56xf32, #tpu.memory_space<vmem>> -> memref<8x56x56xf32, #tpu.memory_space<vmem>>
        %dma_start3A_624 = arith.constant 0 : i32
        %dma_start3A_625 = arith.constant 0 : i32
        %dma_start3A_626 = tpu.memref_slice %arg2[%select_n3A, %add3A_618, %dma_start3A_624, %dma_start3A_625] : memref<16x768x56x56xf32, #tpu.memory_space<hbm>> -> memref<1x8x56x56xf32, #tpu.memory_space<hbm>>
        %dma_start3A_627 = tpu.memref_squeeze %dma_start3A_626 : memref<1x8x56x56xf32, #tpu.memory_space<hbm>> -> memref<8x56x56xf32, #tpu.memory_space<hbm>>
        %dma_start3A_628 = tpu.memref_slice %arg5[%rem3A_615] : memref<2x!tpu.dma_semaphore, #tpu.memory_space<semaphore_mem>> -> memref<1x!tpu.dma_semaphore, #tpu.memory_space<semaphore_mem>>
        %dma_start3A_629 = tpu.memref_squeeze %dma_start3A_628 : memref<1x!tpu.dma_semaphore, #tpu.memory_space<semaphore_mem>> -> memref<!tpu.dma_semaphore, #tpu.memory_space<semaphore_mem>>
        %dma_start3A_630 = arith.constant 0 : i32
        %dma_start3A_631 = arith.constant 0 : i32
        %dma_start3A_632 = arith.constant 0 : i32
        %dma_start3A_633 = tpu.memref_slice %arg4[%rem3A_615, %dma_start3A_630, %dma_start3A_631, %dma_start3A_632] : memref<2x8x56x56xf32, #tpu.memory_space<vmem>> -> memref<1x8x56x56xf32, #tpu.memory_space<vmem>>
        %dma_start3A_634 = tpu.memref_squeeze %dma_start3A_633 : memref<1x8x56x56xf32, #tpu.memory_space<vmem>> -> memref<8x56x56xf32, #tpu.memory_space<vmem>>
        %dma_start3A_635 = arith.constant 0 : i32
        %dma_start3A_636 = arith.constant 0 : i32
        %dma_start3A_637 = tpu.memref_slice %arg2[%select_n3A, %add3A_618, %dma_start3A_635, %dma_start3A_636] : memref<16x768x56x56xf32, #tpu.memory_space<hbm>> -> memref<1x8x56x56xf32, #tpu.memory_space<hbm>>
        %dma_start3A_638 = tpu.memref_squeeze %dma_start3A_637 : memref<1x8x56x56xf32, #tpu.memory_space<hbm>> -> memref<8x56x56xf32, #tpu.memory_space<hbm>>
        tpu.enqueue_dma source(%dma_start3A_638 : memref<8x56x56xf32, #tpu.memory_space<hbm>>) target(%dma_start3A_634 : memref<8x56x56xf32, #tpu.memory_space<vmem>>) target_semaphore(%dma_start3A_629 : memref<!tpu.dma_semaphore, #tpu.memory_space<semaphore_mem>>)
      } else {
      }
      %rem3A_397 = arith.constant 2 : i32
      %rem3A_398 = arith.remsi %scan3A_391, %rem3A_397 : i32
      %dma_wait3A_399 = arith.constant 0 : i32
      %dma_wait3A_400 = arith.constant 0 : i32
      %dma_wait3A_401 = arith.constant 0 : i32
      %dma_wait3A_402 = tpu.memref_slice %arg4[%rem3A_398, %dma_wait3A_399, %dma_wait3A_400, %dma_wait3A_401] : memref<2x8x56x56xf32, #tpu.memory_space<vmem>> -> memref<1x8x56x56xf32, #tpu.memory_space<vmem>>
      %dma_wait3A_403 = tpu.memref_squeeze %dma_wait3A_402 : memref<1x8x56x56xf32, #tpu.memory_space<vmem>> -> memref<8x56x56xf32, #tpu.memory_space<vmem>>
      %dma_wait3A_404 = arith.constant 0 : i32
      %dma_wait3A_405 = arith.constant 0 : i32
      %dma_wait3A_406 = arith.constant 0 : i32
      %dma_wait3A_407 = tpu.memref_slice %arg2[%select_n3A, %dma_wait3A_404, %dma_wait3A_405, %dma_wait3A_406] : memref<16x768x56x56xf32, #tpu.memory_space<hbm>> -> memref<1x8x56x56xf32, #tpu.memory_space<hbm>>
      %dma_wait3A_408 = tpu.memref_squeeze %dma_wait3A_407 : memref<1x8x56x56xf32, #tpu.memory_space<hbm>> -> memref<8x56x56xf32, #tpu.memory_space<hbm>>
      %dma_wait3A_409 = tpu.memref_slice %arg5[%rem3A_398] : memref<2x!tpu.dma_semaphore, #tpu.memory_space<semaphore_mem>> -> memref<1x!tpu.dma_semaphore, #tpu.memory_space<semaphore_mem>>
      %dma_wait3A_410 = tpu.memref_squeeze %dma_wait3A_409 : memref<1x!tpu.dma_semaphore, #tpu.memory_space<semaphore_mem>> -> memref<!tpu.dma_semaphore, #tpu.memory_space<semaphore_mem>>
      %dma_wait3A_411 = arith.constant 0 : i32
      %dma_wait3A_412 = arith.constant 0 : i32
      %dma_wait3A_413 = arith.constant 0 : i32
      %dma_wait3A_414 = tpu.memref_slice %arg4[%rem3A_398, %dma_wait3A_411, %dma_wait3A_412, %dma_wait3A_413] : memref<2x8x56x56xf32, #tpu.memory_space<vmem>> -> memref<1x8x56x56xf32, #tpu.memory_space<vmem>>
      %dma_wait3A_415 = tpu.memref_squeeze %dma_wait3A_414 : memref<1x8x56x56xf32, #tpu.memory_space<vmem>> -> memref<8x56x56xf32, #tpu.memory_space<vmem>>
      %dma_wait3A_416 = arith.constant 0 : i32
      %dma_wait3A_417 = arith.constant 0 : i32
      %dma_wait3A_418 = arith.constant 0 : i32
      %dma_wait3A_419 = tpu.memref_slice %arg2[%select_n3A, %dma_wait3A_416, %dma_wait3A_417, %dma_wait3A_418] : memref<16x768x56x56xf32, #tpu.memory_space<hbm>> -> memref<1x8x56x56xf32, #tpu.memory_space<hbm>>
      %dma_wait3A_420 = tpu.memref_squeeze %dma_wait3A_419 : memref<1x8x56x56xf32, #tpu.memory_space<hbm>> -> memref<8x56x56xf32, #tpu.memory_space<hbm>>
      tpu.wait_dma2 semaphore(%dma_wait3A_410 : memref<!tpu.dma_semaphore, #tpu.memory_space<semaphore_mem>>) src(%dma_wait3A_420 : memref<8x56x56xf32, #tpu.memory_space<hbm>>) dst(%dma_wait3A_415 : memref<8x56x56xf32, #tpu.memory_space<vmem>>)
      %rem3A_421 = arith.constant 2 : i32
      %rem3A_422 = arith.remsi %scan3A_391, %rem3A_421 : i32
      %mul3A_423 = arith.constant 8 : i32
      %mul3A_424 = arith.muli %scan3A_391, %mul3A_423 : i32
      %add3A_425 = arith.addi %sub3A_36, %mul3A_424 : i32
      %add3A_426 = arith.constant 0 : i32
      %add3A_427 = arith.addi %add3A_425, %add3A_426 : i32
      %sub3A_428 = arith.constant 767 : i32
      %sub3A_429 = arith.subi %sub3A_428, %add3A_427 : i32
      %dma_start3A_430 = arith.constant 0 : i32
      %dma_start3A_431 = arith.constant 0 : i32
      %dma_start3A_432 = arith.constant 0 : i32
      %dma_start3A_433 = tpu.memref_slice %arg4[%rem3A_422, %dma_start3A_430, %dma_start3A_431, %dma_start3A_432] : memref<2x8x56x56xf32, #tpu.memory_space<vmem>> -> memref<1x1x56x56xf32, #tpu.memory_space<vmem>>
      %dma_start3A_434 = tpu.memref_squeeze %dma_start3A_433 : memref<1x1x56x56xf32, #tpu.memory_space<vmem>> -> memref<56x56xf32, #tpu.memory_space<vmem>>
      %dma_start3A_435 = arith.constant 0 : i32
      %dma_start3A_436 = arith.constant 0 : i32
      %dma_start3A_437 = tpu.memref_slice %arg3[%select_n3A, %sub3A_429, %dma_start3A_435, %dma_start3A_436] : memref<16x768x56x56xf32, #tpu.memory_space<hbm>> -> memref<1x1x56x56xf32, #tpu.memory_space<hbm>>
      %dma_start3A_438 = tpu.memref_squeeze %dma_start3A_437 : memref<1x1x56x56xf32, #tpu.memory_space<hbm>> -> memref<56x56xf32, #tpu.memory_space<hbm>>
      %dma_start3A_439 = tpu.memref_slice %arg6[%rem3A_422] : memref<2x!tpu.dma_semaphore, #tpu.memory_space<semaphore_mem>> -> memref<1x!tpu.dma_semaphore, #tpu.memory_space<semaphore_mem>>
      %dma_start3A_440 = tpu.memref_squeeze %dma_start3A_439 : memref<1x!tpu.dma_semaphore, #tpu.memory_space<semaphore_mem>> -> memref<!tpu.dma_semaphore, #tpu.memory_space<semaphore_mem>>
      %dma_start3A_441 = arith.constant 0 : i32
      %dma_start3A_442 = arith.constant 0 : i32
      %dma_start3A_443 = tpu.memref_slice %arg3[%select_n3A, %sub3A_429, %dma_start3A_441, %dma_start3A_442] : memref<16x768x56x56xf32, #tpu.memory_space<hbm>> -> memref<1x1x56x56xf32, #tpu.memory_space<hbm>>
      %dma_start3A_444 = tpu.memref_squeeze %dma_start3A_443 : memref<1x1x56x56xf32, #tpu.memory_space<hbm>> -> memref<56x56xf32, #tpu.memory_space<hbm>>
      %dma_start3A_445 = arith.constant 0 : i32
      %dma_start3A_446 = arith.constant 0 : i32
      %dma_start3A_447 = tpu.memref_slice %arg4[%rem3A_422, %dma_start3A_430, %dma_start3A_445, %dma_start3A_446] : memref<2x8x56x56xf32, #tpu.memory_space<vmem>> -> memref<1x1x56x56xf32, #tpu.memory_space<vmem>>
      %dma_start3A_448 = tpu.memref_squeeze %dma_start3A_447 : memref<1x1x56x56xf32, #tpu.memory_space<vmem>> -> memref<56x56xf32, #tpu.memory_space<vmem>>
      tpu.enqueue_dma source(%dma_start3A_448 : memref<56x56xf32, #tpu.memory_space<vmem>>) target(%dma_start3A_444 : memref<56x56xf32, #tpu.memory_space<hbm>>) target_semaphore(%dma_start3A_440 : memref<!tpu.dma_semaphore, #tpu.memory_space<semaphore_mem>>)
      %add3A_449 = arith.constant 1 : i32
      %add3A_450 = arith.addi %add3A_425, %add3A_449 : i32
      %sub3A_451 = arith.constant 767 : i32
      %sub3A_452 = arith.subi %sub3A_451, %add3A_450 : i32
      %dma_start3A_453 = arith.constant 1 : i32
      %dma_start3A_454 = arith.constant 0 : i32
      %dma_start3A_455 = arith.constant 0 : i32
      %dma_start3A_456 = tpu.memref_slice %arg4[%rem3A_422, %dma_start3A_453, %dma_start3A_454, %dma_start3A_455] : memref<2x8x56x56xf32, #tpu.memory_space<vmem>> -> memref<1x1x56x56xf32, #tpu.memory_space<vmem>>
      %dma_start3A_457 = tpu.memref_squeeze %dma_start3A_456 : memref<1x1x56x56xf32, #tpu.memory_space<vmem>> -> memref<56x56xf32, #tpu.memory_space<vmem>>
      %dma_start3A_458 = arith.constant 0 : i32
      %dma_start3A_459 = arith.constant 0 : i32
      %dma_start3A_460 = tpu.memref_slice %arg3[%select_n3A, %sub3A_452, %dma_start3A_458, %dma_start3A_459] : memref<16x768x56x56xf32, #tpu.memory_space<hbm>> -> memref<1x1x56x56xf32, #tpu.memory_space<hbm>>
      %dma_start3A_461 = tpu.memref_squeeze %dma_start3A_460 : memref<1x1x56x56xf32, #tpu.memory_space<hbm>> -> memref<56x56xf32, #tpu.memory_space<hbm>>
      %dma_start3A_462 = tpu.memref_slice %arg6[%rem3A_422] : memref<2x!tpu.dma_semaphore, #tpu.memory_space<semaphore_mem>> -> memref<1x!tpu.dma_semaphore, #tpu.memory_space<semaphore_mem>>
      %dma_start3A_463 = tpu.memref_squeeze %dma_start3A_462 : memref<1x!tpu.dma_semaphore, #tpu.memory_space<semaphore_mem>> -> memref<!tpu.dma_semaphore, #tpu.memory_space<semaphore_mem>>
      %dma_start3A_464 = arith.constant 0 : i32
      %dma_start3A_465 = arith.constant 0 : i32
      %dma_start3A_466 = tpu.memref_slice %arg3[%select_n3A, %sub3A_452, %dma_start3A_464, %dma_start3A_465] : memref<16x768x56x56xf32, #tpu.memory_space<hbm>> -> memref<1x1x56x56xf32, #tpu.memory_space<hbm>>
      %dma_start3A_467 = tpu.memref_squeeze %dma_start3A_466 : memref<1x1x56x56xf32, #tpu.memory_space<hbm>> -> memref<56x56xf32, #tpu.memory_space<hbm>>
      %dma_start3A_468 = arith.constant 0 : i32
      %dma_start3A_469 = arith.constant 0 : i32
      %dma_start3A_470 = tpu.memref_slice %arg4[%rem3A_422, %dma_start3A_453, %dma_start3A_468, %dma_start3A_469] : memref<2x8x56x56xf32, #tpu.memory_space<vmem>> -> memref<1x1x56x56xf32, #tpu.memory_space<vmem>>
      %dma_start3A_471 = tpu.memref_squeeze %dma_start3A_470 : memref<1x1x56x56xf32, #tpu.memory_space<vmem>> -> memref<56x56xf32, #tpu.memory_space<vmem>>
      tpu.enqueue_dma source(%dma_start3A_471 : memref<56x56xf32, #tpu.memory_space<vmem>>) target(%dma_start3A_467 : memref<56x56xf32, #tpu.memory_space<hbm>>) target_semaphore(%dma_start3A_463 : memref<!tpu.dma_semaphore, #tpu.memory_space<semaphore_mem>>)
      %add3A_472 = arith.constant 2 : i32
      %add3A_473 = arith.addi %add3A_425, %add3A_472 : i32
      %sub3A_474 = arith.constant 767 : i32
      %sub3A_475 = arith.subi %sub3A_474, %add3A_473 : i32
      %dma_start3A_476 = arith.constant 2 : i32
      %dma_start3A_477 = arith.constant 0 : i32
      %dma_start3A_478 = arith.constant 0 : i32
      %dma_start3A_479 = tpu.memref_slice %arg4[%rem3A_422, %dma_start3A_476, %dma_start3A_477, %dma_start3A_478] : memref<2x8x56x56xf32, #tpu.memory_space<vmem>> -> memref<1x1x56x56xf32, #tpu.memory_space<vmem>>
      %dma_start3A_480 = tpu.memref_squeeze %dma_start3A_479 : memref<1x1x56x56xf32, #tpu.memory_space<vmem>> -> memref<56x56xf32, #tpu.memory_space<vmem>>
      %dma_start3A_481 = arith.constant 0 : i32
      %dma_start3A_482 = arith.constant 0 : i32
      %dma_start3A_483 = tpu.memref_slice %arg3[%select_n3A, %sub3A_475, %dma_start3A_481, %dma_start3A_482] : memref<16x768x56x56xf32, #tpu.memory_space<hbm>> -> memref<1x1x56x56xf32, #tpu.memory_space<hbm>>
      %dma_start3A_484 = tpu.memref_squeeze %dma_start3A_483 : memref<1x1x56x56xf32, #tpu.memory_space<hbm>> -> memref<56x56xf32, #tpu.memory_space<hbm>>
      %dma_start3A_485 = tpu.memref_slice %arg6[%rem3A_422] : memref<2x!tpu.dma_semaphore, #tpu.memory_space<semaphore_mem>> -> memref<1x!tpu.dma_semaphore, #tpu.memory_space<semaphore_mem>>
      %dma_start3A_486 = tpu.memref_squeeze %dma_start3A_485 : memref<1x!tpu.dma_semaphore, #tpu.memory_space<semaphore_mem>> -> memref<!tpu.dma_semaphore, #tpu.memory_space<semaphore_mem>>
      %dma_start3A_487 = arith.constant 0 : i32
      %dma_start3A_488 = arith.constant 0 : i32
      %dma_start3A_489 = tpu.memref_slice %arg3[%select_n3A, %sub3A_475, %dma_start3A_487, %dma_start3A_488] : memref<16x768x56x56xf32, #tpu.memory_space<hbm>> -> memref<1x1x56x56xf32, #tpu.memory_space<hbm>>
      %dma_start3A_490 = tpu.memref_squeeze %dma_start3A_489 : memref<1x1x56x56xf32, #tpu.memory_space<hbm>> -> memref<56x56xf32, #tpu.memory_space<hbm>>
      %dma_start3A_491 = arith.constant 0 : i32
      %dma_start3A_492 = arith.constant 0 : i32
      %dma_start3A_493 = tpu.memref_slice %arg4[%rem3A_422, %dma_start3A_476, %dma_start3A_491, %dma_start3A_492] : memref<2x8x56x56xf32, #tpu.memory_space<vmem>> -> memref<1x1x56x56xf32, #tpu.memory_space<vmem>>
      %dma_start3A_494 = tpu.memref_squeeze %dma_start3A_493 : memref<1x1x56x56xf32, #tpu.memory_space<vmem>> -> memref<56x56xf32, #tpu.memory_space<vmem>>
      tpu.enqueue_dma source(%dma_start3A_494 : memref<56x56xf32, #tpu.memory_space<vmem>>) target(%dma_start3A_490 : memref<56x56xf32, #tpu.memory_space<hbm>>) target_semaphore(%dma_start3A_486 : memref<!tpu.dma_semaphore, #tpu.memory_space<semaphore_mem>>)
      %add3A_495 = arith.constant 3 : i32
      %add3A_496 = arith.addi %add3A_425, %add3A_495 : i32
      %sub3A_497 = arith.constant 767 : i32
      %sub3A_498 = arith.subi %sub3A_497, %add3A_496 : i32
      %dma_start3A_499 = arith.constant 3 : i32
      %dma_start3A_500 = arith.constant 0 : i32
      %dma_start3A_501 = arith.constant 0 : i32
      %dma_start3A_502 = tpu.memref_slice %arg4[%rem3A_422, %dma_start3A_499, %dma_start3A_500, %dma_start3A_501] : memref<2x8x56x56xf32, #tpu.memory_space<vmem>> -> memref<1x1x56x56xf32, #tpu.memory_space<vmem>>
      %dma_start3A_503 = tpu.memref_squeeze %dma_start3A_502 : memref<1x1x56x56xf32, #tpu.memory_space<vmem>> -> memref<56x56xf32, #tpu.memory_space<vmem>>
      %dma_start3A_504 = arith.constant 0 : i32
      %dma_start3A_505 = arith.constant 0 : i32
      %dma_start3A_506 = tpu.memref_slice %arg3[%select_n3A, %sub3A_498, %dma_start3A_504, %dma_start3A_505] : memref<16x768x56x56xf32, #tpu.memory_space<hbm>> -> memref<1x1x56x56xf32, #tpu.memory_space<hbm>>
      %dma_start3A_507 = tpu.memref_squeeze %dma_start3A_506 : memref<1x1x56x56xf32, #tpu.memory_space<hbm>> -> memref<56x56xf32, #tpu.memory_space<hbm>>
      %dma_start3A_508 = tpu.memref_slice %arg6[%rem3A_422] : memref<2x!tpu.dma_semaphore, #tpu.memory_space<semaphore_mem>> -> memref<1x!tpu.dma_semaphore, #tpu.memory_space<semaphore_mem>>
      %dma_start3A_509 = tpu.memref_squeeze %dma_start3A_508 : memref<1x!tpu.dma_semaphore, #tpu.memory_space<semaphore_mem>> -> memref<!tpu.dma_semaphore, #tpu.memory_space<semaphore_mem>>
      %dma_start3A_510 = arith.constant 0 : i32
      %dma_start3A_511 = arith.constant 0 : i32
      %dma_start3A_512 = tpu.memref_slice %arg3[%select_n3A, %sub3A_498, %dma_start3A_510, %dma_start3A_511] : memref<16x768x56x56xf32, #tpu.memory_space<hbm>> -> memref<1x1x56x56xf32, #tpu.memory_space<hbm>>
      %dma_start3A_513 = tpu.memref_squeeze %dma_start3A_512 : memref<1x1x56x56xf32, #tpu.memory_space<hbm>> -> memref<56x56xf32, #tpu.memory_space<hbm>>
      %dma_start3A_514 = arith.constant 0 : i32
      %dma_start3A_515 = arith.constant 0 : i32
      %dma_start3A_516 = tpu.memref_slice %arg4[%rem3A_422, %dma_start3A_499, %dma_start3A_514, %dma_start3A_515] : memref<2x8x56x56xf32, #tpu.memory_space<vmem>> -> memref<1x1x56x56xf32, #tpu.memory_space<vmem>>
      %dma_start3A_517 = tpu.memref_squeeze %dma_start3A_516 : memref<1x1x56x56xf32, #tpu.memory_space<vmem>> -> memref<56x56xf32, #tpu.memory_space<vmem>>
      tpu.enqueue_dma source(%dma_start3A_517 : memref<56x56xf32, #tpu.memory_space<vmem>>) target(%dma_start3A_513 : memref<56x56xf32, #tpu.memory_space<hbm>>) target_semaphore(%dma_start3A_509 : memref<!tpu.dma_semaphore, #tpu.memory_space<semaphore_mem>>)
      %add3A_518 = arith.constant 4 : i32
      %add3A_519 = arith.addi %add3A_425, %add3A_518 : i32
      %sub3A_520 = arith.constant 767 : i32
      %sub3A_521 = arith.subi %sub3A_520, %add3A_519 : i32
      %dma_start3A_522 = arith.constant 4 : i32
      %dma_start3A_523 = arith.constant 0 : i32
      %dma_start3A_524 = arith.constant 0 : i32
      %dma_start3A_525 = tpu.memref_slice %arg4[%rem3A_422, %dma_start3A_522, %dma_start3A_523, %dma_start3A_524] : memref<2x8x56x56xf32, #tpu.memory_space<vmem>> -> memref<1x1x56x56xf32, #tpu.memory_space<vmem>>
      %dma_start3A_526 = tpu.memref_squeeze %dma_start3A_525 : memref<1x1x56x56xf32, #tpu.memory_space<vmem>> -> memref<56x56xf32, #tpu.memory_space<vmem>>
      %dma_start3A_527 = arith.constant 0 : i32
      %dma_start3A_528 = arith.constant 0 : i32
      %dma_start3A_529 = tpu.memref_slice %arg3[%select_n3A, %sub3A_521, %dma_start3A_527, %dma_start3A_528] : memref<16x768x56x56xf32, #tpu.memory_space<hbm>> -> memref<1x1x56x56xf32, #tpu.memory_space<hbm>>
      %dma_start3A_530 = tpu.memref_squeeze %dma_start3A_529 : memref<1x1x56x56xf32, #tpu.memory_space<hbm>> -> memref<56x56xf32, #tpu.memory_space<hbm>>
      %dma_start3A_531 = tpu.memref_slice %arg6[%rem3A_422] : memref<2x!tpu.dma_semaphore, #tpu.memory_space<semaphore_mem>> -> memref<1x!tpu.dma_semaphore, #tpu.memory_space<semaphore_mem>>
      %dma_start3A_532 = tpu.memref_squeeze %dma_start3A_531 : memref<1x!tpu.dma_semaphore, #tpu.memory_space<semaphore_mem>> -> memref<!tpu.dma_semaphore, #tpu.memory_space<semaphore_mem>>
      %dma_start3A_533 = arith.constant 0 : i32
      %dma_start3A_534 = arith.constant 0 : i32
      %dma_start3A_535 = tpu.memref_slice %arg3[%select_n3A, %sub3A_521, %dma_start3A_533, %dma_start3A_534] : memref<16x768x56x56xf32, #tpu.memory_space<hbm>> -> memref<1x1x56x56xf32, #tpu.memory_space<hbm>>
      %dma_start3A_536 = tpu.memref_squeeze %dma_start3A_535 : memref<1x1x56x56xf32, #tpu.memory_space<hbm>> -> memref<56x56xf32, #tpu.memory_space<hbm>>
      %dma_start3A_537 = arith.constant 0 : i32
      %dma_start3A_538 = arith.constant 0 : i32
      %dma_start3A_539 = tpu.memref_slice %arg4[%rem3A_422, %dma_start3A_522, %dma_start3A_537, %dma_start3A_538] : memref<2x8x56x56xf32, #tpu.memory_space<vmem>> -> memref<1x1x56x56xf32, #tpu.memory_space<vmem>>
      %dma_start3A_540 = tpu.memref_squeeze %dma_start3A_539 : memref<1x1x56x56xf32, #tpu.memory_space<vmem>> -> memref<56x56xf32, #tpu.memory_space<vmem>>
      tpu.enqueue_dma source(%dma_start3A_540 : memref<56x56xf32, #tpu.memory_space<vmem>>) target(%dma_start3A_536 : memref<56x56xf32, #tpu.memory_space<hbm>>) target_semaphore(%dma_start3A_532 : memref<!tpu.dma_semaphore, #tpu.memory_space<semaphore_mem>>)
      %add3A_541 = arith.constant 5 : i32
      %add3A_542 = arith.addi %add3A_425, %add3A_541 : i32
      %sub3A_543 = arith.constant 767 : i32
      %sub3A_544 = arith.subi %sub3A_543, %add3A_542 : i32
      %dma_start3A_545 = arith.constant 5 : i32
      %dma_start3A_546 = arith.constant 0 : i32
      %dma_start3A_547 = arith.constant 0 : i32
      %dma_start3A_548 = tpu.memref_slice %arg4[%rem3A_422, %dma_start3A_545, %dma_start3A_546, %dma_start3A_547] : memref<2x8x56x56xf32, #tpu.memory_space<vmem>> -> memref<1x1x56x56xf32, #tpu.memory_space<vmem>>
      %dma_start3A_549 = tpu.memref_squeeze %dma_start3A_548 : memref<1x1x56x56xf32, #tpu.memory_space<vmem>> -> memref<56x56xf32, #tpu.memory_space<vmem>>
      %dma_start3A_550 = arith.constant 0 : i32
      %dma_start3A_551 = arith.constant 0 : i32
      %dma_start3A_552 = tpu.memref_slice %arg3[%select_n3A, %sub3A_544, %dma_start3A_550, %dma_start3A_551] : memref<16x768x56x56xf32, #tpu.memory_space<hbm>> -> memref<1x1x56x56xf32, #tpu.memory_space<hbm>>
      %dma_start3A_553 = tpu.memref_squeeze %dma_start3A_552 : memref<1x1x56x56xf32, #tpu.memory_space<hbm>> -> memref<56x56xf32, #tpu.memory_space<hbm>>
      %dma_start3A_554 = tpu.memref_slice %arg6[%rem3A_422] : memref<2x!tpu.dma_semaphore, #tpu.memory_space<semaphore_mem>> -> memref<1x!tpu.dma_semaphore, #tpu.memory_space<semaphore_mem>>
      %dma_start3A_555 = tpu.memref_squeeze %dma_start3A_554 : memref<1x!tpu.dma_semaphore, #tpu.memory_space<semaphore_mem>> -> memref<!tpu.dma_semaphore, #tpu.memory_space<semaphore_mem>>
      %dma_start3A_556 = arith.constant 0 : i32
      %dma_start3A_557 = arith.constant 0 : i32
      %dma_start3A_558 = tpu.memref_slice %arg3[%select_n3A, %sub3A_544, %dma_start3A_556, %dma_start3A_557] : memref<16x768x56x56xf32, #tpu.memory_space<hbm>> -> memref<1x1x56x56xf32, #tpu.memory_space<hbm>>
      %dma_start3A_559 = tpu.memref_squeeze %dma_start3A_558 : memref<1x1x56x56xf32, #tpu.memory_space<hbm>> -> memref<56x56xf32, #tpu.memory_space<hbm>>
      %dma_start3A_560 = arith.constant 0 : i32
      %dma_start3A_561 = arith.constant 0 : i32
      %dma_start3A_562 = tpu.memref_slice %arg4[%rem3A_422, %dma_start3A_545, %dma_start3A_560, %dma_start3A_561] : memref<2x8x56x56xf32, #tpu.memory_space<vmem>> -> memref<1x1x56x56xf32, #tpu.memory_space<vmem>>
      %dma_start3A_563 = tpu.memref_squeeze %dma_start3A_562 : memref<1x1x56x56xf32, #tpu.memory_space<vmem>> -> memref<56x56xf32, #tpu.memory_space<vmem>>
      tpu.enqueue_dma source(%dma_start3A_563 : memref<56x56xf32, #tpu.memory_space<vmem>>) target(%dma_start3A_559 : memref<56x56xf32, #tpu.memory_space<hbm>>) target_semaphore(%dma_start3A_555 : memref<!tpu.dma_semaphore, #tpu.memory_space<semaphore_mem>>)
      %add3A_564 = arith.constant 6 : i32
      %add3A_565 = arith.addi %add3A_425, %add3A_564 : i32
      %sub3A_566 = arith.constant 767 : i32
      %sub3A_567 = arith.subi %sub3A_566, %add3A_565 : i32
      %dma_start3A_568 = arith.constant 6 : i32
      %dma_start3A_569 = arith.constant 0 : i32
      %dma_start3A_570 = arith.constant 0 : i32
      %dma_start3A_571 = tpu.memref_slice %arg4[%rem3A_422, %dma_start3A_568, %dma_start3A_569, %dma_start3A_570] : memref<2x8x56x56xf32, #tpu.memory_space<vmem>> -> memref<1x1x56x56xf32, #tpu.memory_space<vmem>>
      %dma_start3A_572 = tpu.memref_squeeze %dma_start3A_571 : memref<1x1x56x56xf32, #tpu.memory_space<vmem>> -> memref<56x56xf32, #tpu.memory_space<vmem>>
      %dma_start3A_573 = arith.constant 0 : i32
      %dma_start3A_574 = arith.constant 0 : i32
      %dma_start3A_575 = tpu.memref_slice %arg3[%select_n3A, %sub3A_567, %dma_start3A_573, %dma_start3A_574] : memref<16x768x56x56xf32, #tpu.memory_space<hbm>> -> memref<1x1x56x56xf32, #tpu.memory_space<hbm>>
      %dma_start3A_576 = tpu.memref_squeeze %dma_start3A_575 : memref<1x1x56x56xf32, #tpu.memory_space<hbm>> -> memref<56x56xf32, #tpu.memory_space<hbm>>
      %dma_start3A_577 = tpu.memref_slice %arg6[%rem3A_422] : memref<2x!tpu.dma_semaphore, #tpu.memory_space<semaphore_mem>> -> memref<1x!tpu.dma_semaphore, #tpu.memory_space<semaphore_mem>>
      %dma_start3A_578 = tpu.memref_squeeze %dma_start3A_577 : memref<1x!tpu.dma_semaphore, #tpu.memory_space<semaphore_mem>> -> memref<!tpu.dma_semaphore, #tpu.memory_space<semaphore_mem>>
      %dma_start3A_579 = arith.constant 0 : i32
      %dma_start3A_580 = arith.constant 0 : i32
      %dma_start3A_581 = tpu.memref_slice %arg3[%select_n3A, %sub3A_567, %dma_start3A_579, %dma_start3A_580] : memref<16x768x56x56xf32, #tpu.memory_space<hbm>> -> memref<1x1x56x56xf32, #tpu.memory_space<hbm>>
      %dma_start3A_582 = tpu.memref_squeeze %dma_start3A_581 : memref<1x1x56x56xf32, #tpu.memory_space<hbm>> -> memref<56x56xf32, #tpu.memory_space<hbm>>
      %dma_start3A_583 = arith.constant 0 : i32
      %dma_start3A_584 = arith.constant 0 : i32
      %dma_start3A_585 = tpu.memref_slice %arg4[%rem3A_422, %dma_start3A_568, %dma_start3A_583, %dma_start3A_584] : memref<2x8x56x56xf32, #tpu.memory_space<vmem>> -> memref<1x1x56x56xf32, #tpu.memory_space<vmem>>
      %dma_start3A_586 = tpu.memref_squeeze %dma_start3A_585 : memref<1x1x56x56xf32, #tpu.memory_space<vmem>> -> memref<56x56xf32, #tpu.memory_space<vmem>>
      tpu.enqueue_dma source(%dma_start3A_586 : memref<56x56xf32, #tpu.memory_space<vmem>>) target(%dma_start3A_582 : memref<56x56xf32, #tpu.memory_space<hbm>>) target_semaphore(%dma_start3A_578 : memref<!tpu.dma_semaphore, #tpu.memory_space<semaphore_mem>>)
      %add3A_587 = arith.constant 7 : i32
      %add3A_588 = arith.addi %add3A_425, %add3A_587 : i32
      %sub3A_589 = arith.constant 767 : i32
      %sub3A_590 = arith.subi %sub3A_589, %add3A_588 : i32
      %dma_start3A_591 = arith.constant 7 : i32
      %dma_start3A_592 = arith.constant 0 : i32
      %dma_start3A_593 = arith.constant 0 : i32
      %dma_start3A_594 = tpu.memref_slice %arg4[%rem3A_422, %dma_start3A_591, %dma_start3A_592, %dma_start3A_593] : memref<2x8x56x56xf32, #tpu.memory_space<vmem>> -> memref<1x1x56x56xf32, #tpu.memory_space<vmem>>
      %dma_start3A_595 = tpu.memref_squeeze %dma_start3A_594 : memref<1x1x56x56xf32, #tpu.memory_space<vmem>> -> memref<56x56xf32, #tpu.memory_space<vmem>>
      %dma_start3A_596 = arith.constant 0 : i32
      %dma_start3A_597 = arith.constant 0 : i32
      %dma_start3A_598 = tpu.memref_slice %arg3[%select_n3A, %sub3A_590, %dma_start3A_596, %dma_start3A_597] : memref<16x768x56x56xf32, #tpu.memory_space<hbm>> -> memref<1x1x56x56xf32, #tpu.memory_space<hbm>>
      %dma_start3A_599 = tpu.memref_squeeze %dma_start3A_598 : memref<1x1x56x56xf32, #tpu.memory_space<hbm>> -> memref<56x56xf32, #tpu.memory_space<hbm>>
      %dma_start3A_600 = tpu.memref_slice %arg6[%rem3A_422] : memref<2x!tpu.dma_semaphore, #tpu.memory_space<semaphore_mem>> -> memref<1x!tpu.dma_semaphore, #tpu.memory_space<semaphore_mem>>
      %dma_start3A_601 = tpu.memref_squeeze %dma_start3A_600 : memref<1x!tpu.dma_semaphore, #tpu.memory_space<semaphore_mem>> -> memref<!tpu.dma_semaphore, #tpu.memory_space<semaphore_mem>>
      %dma_start3A_602 = arith.constant 0 : i32
      %dma_start3A_603 = arith.constant 0 : i32
      %dma_start3A_604 = tpu.memref_slice %arg3[%select_n3A, %sub3A_590, %dma_start3A_602, %dma_start3A_603] : memref<16x768x56x56xf32, #tpu.memory_space<hbm>> -> memref<1x1x56x56xf32, #tpu.memory_space<hbm>>
      %dma_start3A_605 = tpu.memref_squeeze %dma_start3A_604 : memref<1x1x56x56xf32, #tpu.memory_space<hbm>> -> memref<56x56xf32, #tpu.memory_space<hbm>>
      %dma_start3A_606 = arith.constant 0 : i32
      %dma_start3A_607 = arith.constant 0 : i32
      %dma_start3A_608 = tpu.memref_slice %arg4[%rem3A_422, %dma_start3A_591, %dma_start3A_606, %dma_start3A_607] : memref<2x8x56x56xf32, #tpu.memory_space<vmem>> -> memref<1x1x56x56xf32, #tpu.memory_space<vmem>>
      %dma_start3A_609 = tpu.memref_squeeze %dma_start3A_608 : memref<1x1x56x56xf32, #tpu.memory_space<vmem>> -> memref<56x56xf32, #tpu.memory_space<vmem>>
      tpu.enqueue_dma source(%dma_start3A_609 : memref<56x56xf32, #tpu.memory_space<vmem>>) target(%dma_start3A_605 : memref<56x56xf32, #tpu.memory_space<hbm>>) target_semaphore(%dma_start3A_601 : memref<!tpu.dma_semaphore, #tpu.memory_space<semaphore_mem>>)
    }
    %scan3A_65 = arith.constant 48 : i32
    %rem3A_66 = arith.constant 46 : i32
    %rem3A_67 = arith.constant 2 : i32
    %rem3A_68 = arith.remsi %rem3A_66, %rem3A_67 : i32
    %dma_wait3A = arith.constant 0 : i32
    %dma_wait3A_69 = arith.constant 0 : i32
    %dma_wait3A_70 = arith.constant 0 : i32
    %dma_wait3A_71 = arith.constant 0 : i32
    %dma_wait3A_72 = tpu.memref_slice %arg4[%rem3A_68, %dma_wait3A, %dma_wait3A_70, %dma_wait3A_71] : memref<2x8x56x56xf32, #tpu.memory_space<vmem>> -> memref<1x1x56x56xf32, #tpu.memory_space<vmem>>
    %dma_wait3A_73 = tpu.memref_squeeze %dma_wait3A_72 : memref<1x1x56x56xf32, #tpu.memory_space<vmem>> -> memref<56x56xf32, #tpu.memory_space<vmem>>
    %dma_wait3A_74 = arith.constant 0 : i32
    %dma_wait3A_75 = arith.constant 0 : i32
    %dma_wait3A_76 = tpu.memref_slice %arg3[%select_n3A, %dma_wait3A_69, %dma_wait3A_74, %dma_wait3A_75] : memref<16x768x56x56xf32, #tpu.memory_space<hbm>> -> memref<1x1x56x56xf32, #tpu.memory_space<hbm>>
    %dma_wait3A_77 = tpu.memref_squeeze %dma_wait3A_76 : memref<1x1x56x56xf32, #tpu.memory_space<hbm>> -> memref<56x56xf32, #tpu.memory_space<hbm>>
    %dma_wait3A_78 = tpu.memref_slice %arg6[%rem3A_68] : memref<2x!tpu.dma_semaphore, #tpu.memory_space<semaphore_mem>> -> memref<1x!tpu.dma_semaphore, #tpu.memory_space<semaphore_mem>>
    %dma_wait3A_79 = tpu.memref_squeeze %dma_wait3A_78 : memref<1x!tpu.dma_semaphore, #tpu.memory_space<semaphore_mem>> -> memref<!tpu.dma_semaphore, #tpu.memory_space<semaphore_mem>>
    %dma_wait3A_80 = arith.constant 0 : i32
    %dma_wait3A_81 = arith.constant 0 : i32
    %dma_wait3A_82 = tpu.memref_slice %arg3[%select_n3A, %dma_wait3A_69, %dma_wait3A_80, %dma_wait3A_81] : memref<16x768x56x56xf32, #tpu.memory_space<hbm>> -> memref<1x1x56x56xf32, #tpu.memory_space<hbm>>
    %dma_wait3A_83 = tpu.memref_squeeze %dma_wait3A_82 : memref<1x1x56x56xf32, #tpu.memory_space<hbm>> -> memref<56x56xf32, #tpu.memory_space<hbm>>
    %dma_wait3A_84 = arith.constant 0 : i32
    %dma_wait3A_85 = arith.constant 0 : i32
    %dma_wait3A_86 = tpu.memref_slice %arg4[%rem3A_68, %dma_wait3A, %dma_wait3A_84, %dma_wait3A_85] : memref<2x8x56x56xf32, #tpu.memory_space<vmem>> -> memref<1x1x56x56xf32, #tpu.memory_space<vmem>>
    %dma_wait3A_87 = tpu.memref_squeeze %dma_wait3A_86 : memref<1x1x56x56xf32, #tpu.memory_space<vmem>> -> memref<56x56xf32, #tpu.memory_space<vmem>>
    tpu.wait_dma2 semaphore(%dma_wait3A_79 : memref<!tpu.dma_semaphore, #tpu.memory_space<semaphore_mem>>) src(%dma_wait3A_87 : memref<56x56xf32, #tpu.memory_space<vmem>>) dst(%dma_wait3A_83 : memref<56x56xf32, #tpu.memory_space<hbm>>)
    %dma_wait3A_88 = arith.constant 0 : i32
    %dma_wait3A_89 = arith.constant 0 : i32
    %dma_wait3A_90 = arith.constant 0 : i32
    %dma_wait3A_91 = arith.constant 0 : i32
    %dma_wait3A_92 = tpu.memref_slice %arg4[%rem3A_68, %dma_wait3A_88, %dma_wait3A_90, %dma_wait3A_91] : memref<2x8x56x56xf32, #tpu.memory_space<vmem>> -> memref<1x1x56x56xf32, #tpu.memory_space<vmem>>
    %dma_wait3A_93 = tpu.memref_squeeze %dma_wait3A_92 : memref<1x1x56x56xf32, #tpu.memory_space<vmem>> -> memref<56x56xf32, #tpu.memory_space<vmem>>
    %dma_wait3A_94 = arith.constant 0 : i32
    %dma_wait3A_95 = arith.constant 0 : i32
    %dma_wait3A_96 = tpu.memref_slice %arg3[%select_n3A, %dma_wait3A_89, %dma_wait3A_94, %dma_wait3A_95] : memref<16x768x56x56xf32, #tpu.memory_space<hbm>> -> memref<1x1x56x56xf32, #tpu.memory_space<hbm>>
    %dma_wait3A_97 = tpu.memref_squeeze %dma_wait3A_96 : memref<1x1x56x56xf32, #tpu.memory_space<hbm>> -> memref<56x56xf32, #tpu.memory_space<hbm>>
    %dma_wait3A_98 = tpu.memref_slice %arg6[%rem3A_68] : memref<2x!tpu.dma_semaphore, #tpu.memory_space<semaphore_mem>> -> memref<1x!tpu.dma_semaphore, #tpu.memory_space<semaphore_mem>>
    %dma_wait3A_99 = tpu.memref_squeeze %dma_wait3A_98 : memref<1x!tpu.dma_semaphore, #tpu.memory_space<semaphore_mem>> -> memref<!tpu.dma_semaphore, #tpu.memory_space<semaphore_mem>>
    %dma_wait3A_100 = arith.constant 0 : i32
    %dma_wait3A_101 = arith.constant 0 : i32
    %dma_wait3A_102 = tpu.memref_slice %arg3[%select_n3A, %dma_wait3A_89, %dma_wait3A_100, %dma_wait3A_101] : memref<16x768x56x56xf32, #tpu.memory_space<hbm>> -> memref<1x1x56x56xf32, #tpu.memory_space<hbm>>
    %dma_wait3A_103 = tpu.memref_squeeze %dma_wait3A_102 : memref<1x1x56x56xf32, #tpu.memory_space<hbm>> -> memref<56x56xf32, #tpu.memory_space<hbm>>
    %dma_wait3A_104 = arith.constant 0 : i32
    %dma_wait3A_105 = arith.constant 0 : i32
    %dma_wait3A_106 = tpu.memref_slice %arg4[%rem3A_68, %dma_wait3A_88, %dma_wait3A_104, %dma_wait3A_105] : memref<2x8x56x56xf32, #tpu.memory_space<vmem>> -> memref<1x1x56x56xf32, #tpu.memory_space<vmem>>
    %dma_wait3A_107 = tpu.memref_squeeze %dma_wait3A_106 : memref<1x1x56x56xf32, #tpu.memory_space<vmem>> -> memref<56x56xf32, #tpu.memory_space<vmem>>
    tpu.wait_dma2 semaphore(%dma_wait3A_99 : memref<!tpu.dma_semaphore, #tpu.memory_space<semaphore_mem>>) src(%dma_wait3A_107 : memref<56x56xf32, #tpu.memory_space<vmem>>) dst(%dma_wait3A_103 : memref<56x56xf32, #tpu.memory_space<hbm>>)
    %dma_wait3A_108 = arith.constant 0 : i32
    %dma_wait3A_109 = arith.constant 0 : i32
    %dma_wait3A_110 = arith.constant 0 : i32
    %dma_wait3A_111 = arith.constant 0 : i32
    %dma_wait3A_112 = tpu.memref_slice %arg4[%rem3A_68, %dma_wait3A_108, %dma_wait3A_110, %dma_wait3A_111] : memref<2x8x56x56xf32, #tpu.memory_space<vmem>> -> memref<1x1x56x56xf32, #tpu.memory_space<vmem>>
    %dma_wait3A_113 = tpu.memref_squeeze %dma_wait3A_112 : memref<1x1x56x56xf32, #tpu.memory_space<vmem>> -> memref<56x56xf32, #tpu.memory_space<vmem>>
    %dma_wait3A_114 = arith.constant 0 : i32
    %dma_wait3A_115 = arith.constant 0 : i32
    %dma_wait3A_116 = tpu.memref_slice %arg3[%select_n3A, %dma_wait3A_109, %dma_wait3A_114, %dma_wait3A_115] : memref<16x768x56x56xf32, #tpu.memory_space<hbm>> -> memref<1x1x56x56xf32, #tpu.memory_space<hbm>>
    %dma_wait3A_117 = tpu.memref_squeeze %dma_wait3A_116 : memref<1x1x56x56xf32, #tpu.memory_space<hbm>> -> memref<56x56xf32, #tpu.memory_space<hbm>>
    %dma_wait3A_118 = tpu.memref_slice %arg6[%rem3A_68] : memref<2x!tpu.dma_semaphore, #tpu.memory_space<semaphore_mem>> -> memref<1x!tpu.dma_semaphore, #tpu.memory_space<semaphore_mem>>
    %dma_wait3A_119 = tpu.memref_squeeze %dma_wait3A_118 : memref<1x!tpu.dma_semaphore, #tpu.memory_space<semaphore_mem>> -> memref<!tpu.dma_semaphore, #tpu.memory_space<semaphore_mem>>
    %dma_wait3A_120 = arith.constant 0 : i32
    %dma_wait3A_121 = arith.constant 0 : i32
    %dma_wait3A_122 = tpu.memref_slice %arg3[%select_n3A, %dma_wait3A_109, %dma_wait3A_120, %dma_wait3A_121] : memref<16x768x56x56xf32, #tpu.memory_space<hbm>> -> memref<1x1x56x56xf32, #tpu.memory_space<hbm>>
    %dma_wait3A_123 = tpu.memref_squeeze %dma_wait3A_122 : memref<1x1x56x56xf32, #tpu.memory_space<hbm>> -> memref<56x56xf32, #tpu.memory_space<hbm>>
    %dma_wait3A_124 = arith.constant 0 : i32
    %dma_wait3A_125 = arith.constant 0 : i32
    %dma_wait3A_126 = tpu.memref_slice %arg4[%rem3A_68, %dma_wait3A_108, %dma_wait3A_124, %dma_wait3A_125] : memref<2x8x56x56xf32, #tpu.memory_space<vmem>> -> memref<1x1x56x56xf32, #tpu.memory_space<vmem>>
    %dma_wait3A_127 = tpu.memref_squeeze %dma_wait3A_126 : memref<1x1x56x56xf32, #tpu.memory_space<vmem>> -> memref<56x56xf32, #tpu.memory_space<vmem>>
    tpu.wait_dma2 semaphore(%dma_wait3A_119 : memref<!tpu.dma_semaphore, #tpu.memory_space<semaphore_mem>>) src(%dma_wait3A_127 : memref<56x56xf32, #tpu.memory_space<vmem>>) dst(%dma_wait3A_123 : memref<56x56xf32, #tpu.memory_space<hbm>>)
    %dma_wait3A_128 = arith.constant 0 : i32
    %dma_wait3A_129 = arith.constant 0 : i32
    %dma_wait3A_130 = arith.constant 0 : i32
    %dma_wait3A_131 = arith.constant 0 : i32
    %dma_wait3A_132 = tpu.memref_slice %arg4[%rem3A_68, %dma_wait3A_128, %dma_wait3A_130, %dma_wait3A_131] : memref<2x8x56x56xf32, #tpu.memory_space<vmem>> -> memref<1x1x56x56xf32, #tpu.memory_space<vmem>>
    %dma_wait3A_133 = tpu.memref_squeeze %dma_wait3A_132 : memref<1x1x56x56xf32, #tpu.memory_space<vmem>> -> memref<56x56xf32, #tpu.memory_space<vmem>>
    %dma_wait3A_134 = arith.constant 0 : i32
    %dma_wait3A_135 = arith.constant 0 : i32
    %dma_wait3A_136 = tpu.memref_slice %arg3[%select_n3A, %dma_wait3A_129, %dma_wait3A_134, %dma_wait3A_135] : memref<16x768x56x56xf32, #tpu.memory_space<hbm>> -> memref<1x1x56x56xf32, #tpu.memory_space<hbm>>
    %dma_wait3A_137 = tpu.memref_squeeze %dma_wait3A_136 : memref<1x1x56x56xf32, #tpu.memory_space<hbm>> -> memref<56x56xf32, #tpu.memory_space<hbm>>
    %dma_wait3A_138 = tpu.memref_slice %arg6[%rem3A_68] : memref<2x!tpu.dma_semaphore, #tpu.memory_space<semaphore_mem>> -> memref<1x!tpu.dma_semaphore, #tpu.memory_space<semaphore_mem>>
    %dma_wait3A_139 = tpu.memref_squeeze %dma_wait3A_138 : memref<1x!tpu.dma_semaphore, #tpu.memory_space<semaphore_mem>> -> memref<!tpu.dma_semaphore, #tpu.memory_space<semaphore_mem>>
    %dma_wait3A_140 = arith.constant 0 : i32
    %dma_wait3A_141 = arith.constant 0 : i32
    %dma_wait3A_142 = tpu.memref_slice %arg3[%select_n3A, %dma_wait3A_129, %dma_wait3A_140, %dma_wait3A_141] : memref<16x768x56x56xf32, #tpu.memory_space<hbm>> -> memref<1x1x56x56xf32, #tpu.memory_space<hbm>>
    %dma_wait3A_143 = tpu.memref_squeeze %dma_wait3A_142 : memref<1x1x56x56xf32, #tpu.memory_space<hbm>> -> memref<56x56xf32, #tpu.memory_space<hbm>>
    %dma_wait3A_144 = arith.constant 0 : i32
    %dma_wait3A_145 = arith.constant 0 : i32
    %dma_wait3A_146 = tpu.memref_slice %arg4[%rem3A_68, %dma_wait3A_128, %dma_wait3A_144, %dma_wait3A_145] : memref<2x8x56x56xf32, #tpu.memory_space<vmem>> -> memref<1x1x56x56xf32, #tpu.memory_space<vmem>>
    %dma_wait3A_147 = tpu.memref_squeeze %dma_wait3A_146 : memref<1x1x56x56xf32, #tpu.memory_space<vmem>> -> memref<56x56xf32, #tpu.memory_space<vmem>>
    tpu.wait_dma2 semaphore(%dma_wait3A_139 : memref<!tpu.dma_semaphore, #tpu.memory_space<semaphore_mem>>) src(%dma_wait3A_147 : memref<56x56xf32, #tpu.memory_space<vmem>>) dst(%dma_wait3A_143 : memref<56x56xf32, #tpu.memory_space<hbm>>)
    %dma_wait3A_148 = arith.constant 0 : i32
    %dma_wait3A_149 = arith.constant 0 : i32
    %dma_wait3A_150 = arith.constant 0 : i32
    %dma_wait3A_151 = arith.constant 0 : i32
    %dma_wait3A_152 = tpu.memref_slice %arg4[%rem3A_68, %dma_wait3A_148, %dma_wait3A_150, %dma_wait3A_151] : memref<2x8x56x56xf32, #tpu.memory_space<vmem>> -> memref<1x1x56x56xf32, #tpu.memory_space<vmem>>
    %dma_wait3A_153 = tpu.memref_squeeze %dma_wait3A_152 : memref<1x1x56x56xf32, #tpu.memory_space<vmem>> -> memref<56x56xf32, #tpu.memory_space<vmem>>
    %dma_wait3A_154 = arith.constant 0 : i32
    %dma_wait3A_155 = arith.constant 0 : i32
    %dma_wait3A_156 = tpu.memref_slice %arg3[%select_n3A, %dma_wait3A_149, %dma_wait3A_154, %dma_wait3A_155] : memref<16x768x56x56xf32, #tpu.memory_space<hbm>> -> memref<1x1x56x56xf32, #tpu.memory_space<hbm>>
    %dma_wait3A_157 = tpu.memref_squeeze %dma_wait3A_156 : memref<1x1x56x56xf32, #tpu.memory_space<hbm>> -> memref<56x56xf32, #tpu.memory_space<hbm>>
    %dma_wait3A_158 = tpu.memref_slice %arg6[%rem3A_68] : memref<2x!tpu.dma_semaphore, #tpu.memory_space<semaphore_mem>> -> memref<1x!tpu.dma_semaphore, #tpu.memory_space<semaphore_mem>>
    %dma_wait3A_159 = tpu.memref_squeeze %dma_wait3A_158 : memref<1x!tpu.dma_semaphore, #tpu.memory_space<semaphore_mem>> -> memref<!tpu.dma_semaphore, #tpu.memory_space<semaphore_mem>>
    %dma_wait3A_160 = arith.constant 0 : i32
    %dma_wait3A_161 = arith.constant 0 : i32
    %dma_wait3A_162 = tpu.memref_slice %arg3[%select_n3A, %dma_wait3A_149, %dma_wait3A_160, %dma_wait3A_161] : memref<16x768x56x56xf32, #tpu.memory_space<hbm>> -> memref<1x1x56x56xf32, #tpu.memory_space<hbm>>
    %dma_wait3A_163 = tpu.memref_squeeze %dma_wait3A_162 : memref<1x1x56x56xf32, #tpu.memory_space<hbm>> -> memref<56x56xf32, #tpu.memory_space<hbm>>
    %dma_wait3A_164 = arith.constant 0 : i32
    %dma_wait3A_165 = arith.constant 0 : i32
    %dma_wait3A_166 = tpu.memref_slice %arg4[%rem3A_68, %dma_wait3A_148, %dma_wait3A_164, %dma_wait3A_165] : memref<2x8x56x56xf32, #tpu.memory_space<vmem>> -> memref<1x1x56x56xf32, #tpu.memory_space<vmem>>
    %dma_wait3A_167 = tpu.memref_squeeze %dma_wait3A_166 : memref<1x1x56x56xf32, #tpu.memory_space<vmem>> -> memref<56x56xf32, #tpu.memory_space<vmem>>
    tpu.wait_dma2 semaphore(%dma_wait3A_159 : memref<!tpu.dma_semaphore, #tpu.memory_space<semaphore_mem>>) src(%dma_wait3A_167 : memref<56x56xf32, #tpu.memory_space<vmem>>) dst(%dma_wait3A_163 : memref<56x56xf32, #tpu.memory_space<hbm>>)
    %dma_wait3A_168 = arith.constant 0 : i32
    %dma_wait3A_169 = arith.constant 0 : i32
    %dma_wait3A_170 = arith.constant 0 : i32
    %dma_wait3A_171 = arith.constant 0 : i32
    %dma_wait3A_172 = tpu.memref_slice %arg4[%rem3A_68, %dma_wait3A_168, %dma_wait3A_170, %dma_wait3A_171] : memref<2x8x56x56xf32, #tpu.memory_space<vmem>> -> memref<1x1x56x56xf32, #tpu.memory_space<vmem>>
    %dma_wait3A_173 = tpu.memref_squeeze %dma_wait3A_172 : memref<1x1x56x56xf32, #tpu.memory_space<vmem>> -> memref<56x56xf32, #tpu.memory_space<vmem>>
    %dma_wait3A_174 = arith.constant 0 : i32
    %dma_wait3A_175 = arith.constant 0 : i32
    %dma_wait3A_176 = tpu.memref_slice %arg3[%select_n3A, %dma_wait3A_169, %dma_wait3A_174, %dma_wait3A_175] : memref<16x768x56x56xf32, #tpu.memory_space<hbm>> -> memref<1x1x56x56xf32, #tpu.memory_space<hbm>>
    %dma_wait3A_177 = tpu.memref_squeeze %dma_wait3A_176 : memref<1x1x56x56xf32, #tpu.memory_space<hbm>> -> memref<56x56xf32, #tpu.memory_space<hbm>>
    %dma_wait3A_178 = tpu.memref_slice %arg6[%rem3A_68] : memref<2x!tpu.dma_semaphore, #tpu.memory_space<semaphore_mem>> -> memref<1x!tpu.dma_semaphore, #tpu.memory_space<semaphore_mem>>
    %dma_wait3A_179 = tpu.memref_squeeze %dma_wait3A_178 : memref<1x!tpu.dma_semaphore, #tpu.memory_space<semaphore_mem>> -> memref<!tpu.dma_semaphore, #tpu.memory_space<semaphore_mem>>
    %dma_wait3A_180 = arith.constant 0 : i32
    %dma_wait3A_181 = arith.constant 0 : i32
    %dma_wait3A_182 = tpu.memref_slice %arg3[%select_n3A, %dma_wait3A_169, %dma_wait3A_180, %dma_wait3A_181] : memref<16x768x56x56xf32, #tpu.memory_space<hbm>> -> memref<1x1x56x56xf32, #tpu.memory_space<hbm>>
    %dma_wait3A_183 = tpu.memref_squeeze %dma_wait3A_182 : memref<1x1x56x56xf32, #tpu.memory_space<hbm>> -> memref<56x56xf32, #tpu.memory_space<hbm>>
    %dma_wait3A_184 = arith.constant 0 : i32
    %dma_wait3A_185 = arith.constant 0 : i32
    %dma_wait3A_186 = tpu.memref_slice %arg4[%rem3A_68, %dma_wait3A_168, %dma_wait3A_184, %dma_wait3A_185] : memref<2x8x56x56xf32, #tpu.memory_space<vmem>> -> memref<1x1x56x56xf32, #tpu.memory_space<vmem>>
    %dma_wait3A_187 = tpu.memref_squeeze %dma_wait3A_186 : memref<1x1x56x56xf32, #tpu.memory_space<vmem>> -> memref<56x56xf32, #tpu.memory_space<vmem>>
    tpu.wait_dma2 semaphore(%dma_wait3A_179 : memref<!tpu.dma_semaphore, #tpu.memory_space<semaphore_mem>>) src(%dma_wait3A_187 : memref<56x56xf32, #tpu.memory_space<vmem>>) dst(%dma_wait3A_183 : memref<56x56xf32, #tpu.memory_space<hbm>>)
    %dma_wait3A_188 = arith.constant 0 : i32
    %dma_wait3A_189 = arith.constant 0 : i32
    %dma_wait3A_190 = arith.constant 0 : i32
    %dma_wait3A_191 = arith.constant 0 : i32
    %dma_wait3A_192 = tpu.memref_slice %arg4[%rem3A_68, %dma_wait3A_188, %dma_wait3A_190, %dma_wait3A_191] : memref<2x8x56x56xf32, #tpu.memory_space<vmem>> -> memref<1x1x56x56xf32, #tpu.memory_space<vmem>>
    %dma_wait3A_193 = tpu.memref_squeeze %dma_wait3A_192 : memref<1x1x56x56xf32, #tpu.memory_space<vmem>> -> memref<56x56xf32, #tpu.memory_space<vmem>>
    %dma_wait3A_194 = arith.constant 0 : i32
    %dma_wait3A_195 = arith.constant 0 : i32
    %dma_wait3A_196 = tpu.memref_slice %arg3[%select_n3A, %dma_wait3A_189, %dma_wait3A_194, %dma_wait3A_195] : memref<16x768x56x56xf32, #tpu.memory_space<hbm>> -> memref<1x1x56x56xf32, #tpu.memory_space<hbm>>
    %dma_wait3A_197 = tpu.memref_squeeze %dma_wait3A_196 : memref<1x1x56x56xf32, #tpu.memory_space<hbm>> -> memref<56x56xf32, #tpu.memory_space<hbm>>
    %dma_wait3A_198 = tpu.memref_slice %arg6[%rem3A_68] : memref<2x!tpu.dma_semaphore, #tpu.memory_space<semaphore_mem>> -> memref<1x!tpu.dma_semaphore, #tpu.memory_space<semaphore_mem>>
    %dma_wait3A_199 = tpu.memref_squeeze %dma_wait3A_198 : memref<1x!tpu.dma_semaphore, #tpu.memory_space<semaphore_mem>> -> memref<!tpu.dma_semaphore, #tpu.memory_space<semaphore_mem>>
    %dma_wait3A_200 = arith.constant 0 : i32
    %dma_wait3A_201 = arith.constant 0 : i32
    %dma_wait3A_202 = tpu.memref_slice %arg3[%select_n3A, %dma_wait3A_189, %dma_wait3A_200, %dma_wait3A_201] : memref<16x768x56x56xf32, #tpu.memory_space<hbm>> -> memref<1x1x56x56xf32, #tpu.memory_space<hbm>>
    %dma_wait3A_203 = tpu.memref_squeeze %dma_wait3A_202 : memref<1x1x56x56xf32, #tpu.memory_space<hbm>> -> memref<56x56xf32, #tpu.memory_space<hbm>>
    %dma_wait3A_204 = arith.constant 0 : i32
    %dma_wait3A_205 = arith.constant 0 : i32
    %dma_wait3A_206 = tpu.memref_slice %arg4[%rem3A_68, %dma_wait3A_188, %dma_wait3A_204, %dma_wait3A_205] : memref<2x8x56x56xf32, #tpu.memory_space<vmem>> -> memref<1x1x56x56xf32, #tpu.memory_space<vmem>>
    %dma_wait3A_207 = tpu.memref_squeeze %dma_wait3A_206 : memref<1x1x56x56xf32, #tpu.memory_space<vmem>> -> memref<56x56xf32, #tpu.memory_space<vmem>>
    tpu.wait_dma2 semaphore(%dma_wait3A_199 : memref<!tpu.dma_semaphore, #tpu.memory_space<semaphore_mem>>) src(%dma_wait3A_207 : memref<56x56xf32, #tpu.memory_space<vmem>>) dst(%dma_wait3A_203 : memref<56x56xf32, #tpu.memory_space<hbm>>)
    %dma_wait3A_208 = arith.constant 0 : i32
    %dma_wait3A_209 = arith.constant 0 : i32
    %dma_wait3A_210 = arith.constant 0 : i32
    %dma_wait3A_211 = arith.constant 0 : i32
    %dma_wait3A_212 = tpu.memref_slice %arg4[%rem3A_68, %dma_wait3A_208, %dma_wait3A_210, %dma_wait3A_211] : memref<2x8x56x56xf32, #tpu.memory_space<vmem>> -> memref<1x1x56x56xf32, #tpu.memory_space<vmem>>
    %dma_wait3A_213 = tpu.memref_squeeze %dma_wait3A_212 : memref<1x1x56x56xf32, #tpu.memory_space<vmem>> -> memref<56x56xf32, #tpu.memory_space<vmem>>
    %dma_wait3A_214 = arith.constant 0 : i32
    %dma_wait3A_215 = arith.constant 0 : i32
    %dma_wait3A_216 = tpu.memref_slice %arg3[%select_n3A, %dma_wait3A_209, %dma_wait3A_214, %dma_wait3A_215] : memref<16x768x56x56xf32, #tpu.memory_space<hbm>> -> memref<1x1x56x56xf32, #tpu.memory_space<hbm>>
    %dma_wait3A_217 = tpu.memref_squeeze %dma_wait3A_216 : memref<1x1x56x56xf32, #tpu.memory_space<hbm>> -> memref<56x56xf32, #tpu.memory_space<hbm>>
    %dma_wait3A_218 = tpu.memref_slice %arg6[%rem3A_68] : memref<2x!tpu.dma_semaphore, #tpu.memory_space<semaphore_mem>> -> memref<1x!tpu.dma_semaphore, #tpu.memory_space<semaphore_mem>>
    %dma_wait3A_219 = tpu.memref_squeeze %dma_wait3A_218 : memref<1x!tpu.dma_semaphore, #tpu.memory_space<semaphore_mem>> -> memref<!tpu.dma_semaphore, #tpu.memory_space<semaphore_mem>>
    %dma_wait3A_220 = arith.constant 0 : i32
    %dma_wait3A_221 = arith.constant 0 : i32
    %dma_wait3A_222 = tpu.memref_slice %arg3[%select_n3A, %dma_wait3A_209, %dma_wait3A_220, %dma_wait3A_221] : memref<16x768x56x56xf32, #tpu.memory_space<hbm>> -> memref<1x1x56x56xf32, #tpu.memory_space<hbm>>
    %dma_wait3A_223 = tpu.memref_squeeze %dma_wait3A_222 : memref<1x1x56x56xf32, #tpu.memory_space<hbm>> -> memref<56x56xf32, #tpu.memory_space<hbm>>
    %dma_wait3A_224 = arith.constant 0 : i32
    %dma_wait3A_225 = arith.constant 0 : i32
    %dma_wait3A_226 = tpu.memref_slice %arg4[%rem3A_68, %dma_wait3A_208, %dma_wait3A_224, %dma_wait3A_225] : memref<2x8x56x56xf32, #tpu.memory_space<vmem>> -> memref<1x1x56x56xf32, #tpu.memory_space<vmem>>
    %dma_wait3A_227 = tpu.memref_squeeze %dma_wait3A_226 : memref<1x1x56x56xf32, #tpu.memory_space<vmem>> -> memref<56x56xf32, #tpu.memory_space<vmem>>
    tpu.wait_dma2 semaphore(%dma_wait3A_219 : memref<!tpu.dma_semaphore, #tpu.memory_space<semaphore_mem>>) src(%dma_wait3A_227 : memref<56x56xf32, #tpu.memory_space<vmem>>) dst(%dma_wait3A_223 : memref<56x56xf32, #tpu.memory_space<hbm>>)
    %rem3A_228 = arith.constant 47 : i32
    %rem3A_229 = arith.constant 2 : i32
    %rem3A_230 = arith.remsi %rem3A_228, %rem3A_229 : i32
    %dma_wait3A_231 = arith.constant 0 : i32
    %dma_wait3A_232 = arith.constant 0 : i32
    %dma_wait3A_233 = arith.constant 0 : i32
    %dma_wait3A_234 = arith.constant 0 : i32
    %dma_wait3A_235 = tpu.memref_slice %arg4[%rem3A_230, %dma_wait3A_231, %dma_wait3A_233, %dma_wait3A_234] : memref<2x8x56x56xf32, #tpu.memory_space<vmem>> -> memref<1x1x56x56xf32, #tpu.memory_space<vmem>>
    %dma_wait3A_236 = tpu.memref_squeeze %dma_wait3A_235 : memref<1x1x56x56xf32, #tpu.memory_space<vmem>> -> memref<56x56xf32, #tpu.memory_space<vmem>>
    %dma_wait3A_237 = arith.constant 0 : i32
    %dma_wait3A_238 = arith.constant 0 : i32
    %dma_wait3A_239 = tpu.memref_slice %arg3[%select_n3A, %dma_wait3A_232, %dma_wait3A_237, %dma_wait3A_238] : memref<16x768x56x56xf32, #tpu.memory_space<hbm>> -> memref<1x1x56x56xf32, #tpu.memory_space<hbm>>
    %dma_wait3A_240 = tpu.memref_squeeze %dma_wait3A_239 : memref<1x1x56x56xf32, #tpu.memory_space<hbm>> -> memref<56x56xf32, #tpu.memory_space<hbm>>
    %dma_wait3A_241 = tpu.memref_slice %arg6[%rem3A_230] : memref<2x!tpu.dma_semaphore, #tpu.memory_space<semaphore_mem>> -> memref<1x!tpu.dma_semaphore, #tpu.memory_space<semaphore_mem>>
    %dma_wait3A_242 = tpu.memref_squeeze %dma_wait3A_241 : memref<1x!tpu.dma_semaphore, #tpu.memory_space<semaphore_mem>> -> memref<!tpu.dma_semaphore, #tpu.memory_space<semaphore_mem>>
    %dma_wait3A_243 = arith.constant 0 : i32
    %dma_wait3A_244 = arith.constant 0 : i32
    %dma_wait3A_245 = tpu.memref_slice %arg3[%select_n3A, %dma_wait3A_232, %dma_wait3A_243, %dma_wait3A_244] : memref<16x768x56x56xf32, #tpu.memory_space<hbm>> -> memref<1x1x56x56xf32, #tpu.memory_space<hbm>>
    %dma_wait3A_246 = tpu.memref_squeeze %dma_wait3A_245 : memref<1x1x56x56xf32, #tpu.memory_space<hbm>> -> memref<56x56xf32, #tpu.memory_space<hbm>>
    %dma_wait3A_247 = arith.constant 0 : i32
    %dma_wait3A_248 = arith.constant 0 : i32
    %dma_wait3A_249 = tpu.memref_slice %arg4[%rem3A_230, %dma_wait3A_231, %dma_wait3A_247, %dma_wait3A_248] : memref<2x8x56x56xf32, #tpu.memory_space<vmem>> -> memref<1x1x56x56xf32, #tpu.memory_space<vmem>>
    %dma_wait3A_250 = tpu.memref_squeeze %dma_wait3A_249 : memref<1x1x56x56xf32, #tpu.memory_space<vmem>> -> memref<56x56xf32, #tpu.memory_space<vmem>>
    tpu.wait_dma2 semaphore(%dma_wait3A_242 : memref<!tpu.dma_semaphore, #tpu.memory_space<semaphore_mem>>) src(%dma_wait3A_250 : memref<56x56xf32, #tpu.memory_space<vmem>>) dst(%dma_wait3A_246 : memref<56x56xf32, #tpu.memory_space<hbm>>)
    %dma_wait3A_251 = arith.constant 0 : i32
    %dma_wait3A_252 = arith.constant 0 : i32
    %dma_wait3A_253 = arith.constant 0 : i32
    %dma_wait3A_254 = arith.constant 0 : i32
    %dma_wait3A_255 = tpu.memref_slice %arg4[%rem3A_230, %dma_wait3A_251, %dma_wait3A_253, %dma_wait3A_254] : memref<2x8x56x56xf32, #tpu.memory_space<vmem>> -> memref<1x1x56x56xf32, #tpu.memory_space<vmem>>
    %dma_wait3A_256 = tpu.memref_squeeze %dma_wait3A_255 : memref<1x1x56x56xf32, #tpu.memory_space<vmem>> -> memref<56x56xf32, #tpu.memory_space<vmem>>
    %dma_wait3A_257 = arith.constant 0 : i32
    %dma_wait3A_258 = arith.constant 0 : i32
    %dma_wait3A_259 = tpu.memref_slice %arg3[%select_n3A, %dma_wait3A_252, %dma_wait3A_257, %dma_wait3A_258] : memref<16x768x56x56xf32, #tpu.memory_space<hbm>> -> memref<1x1x56x56xf32, #tpu.memory_space<hbm>>
    %dma_wait3A_260 = tpu.memref_squeeze %dma_wait3A_259 : memref<1x1x56x56xf32, #tpu.memory_space<hbm>> -> memref<56x56xf32, #tpu.memory_space<hbm>>
    %dma_wait3A_261 = tpu.memref_slice %arg6[%rem3A_230] : memref<2x!tpu.dma_semaphore, #tpu.memory_space<semaphore_mem>> -> memref<1x!tpu.dma_semaphore, #tpu.memory_space<semaphore_mem>>
    %dma_wait3A_262 = tpu.memref_squeeze %dma_wait3A_261 : memref<1x!tpu.dma_semaphore, #tpu.memory_space<semaphore_mem>> -> memref<!tpu.dma_semaphore, #tpu.memory_space<semaphore_mem>>
    %dma_wait3A_263 = arith.constant 0 : i32
    %dma_wait3A_264 = arith.constant 0 : i32
    %dma_wait3A_265 = tpu.memref_slice %arg3[%select_n3A, %dma_wait3A_252, %dma_wait3A_263, %dma_wait3A_264] : memref<16x768x56x56xf32, #tpu.memory_space<hbm>> -> memref<1x1x56x56xf32, #tpu.memory_space<hbm>>
    %dma_wait3A_266 = tpu.memref_squeeze %dma_wait3A_265 : memref<1x1x56x56xf32, #tpu.memory_space<hbm>> -> memref<56x56xf32, #tpu.memory_space<hbm>>
    %dma_wait3A_267 = arith.constant 0 : i32
    %dma_wait3A_268 = arith.constant 0 : i32
    %dma_wait3A_269 = tpu.memref_slice %arg4[%rem3A_230, %dma_wait3A_251, %dma_wait3A_267, %dma_wait3A_268] : memref<2x8x56x56xf32, #tpu.memory_space<vmem>> -> memref<1x1x56x56xf32, #tpu.memory_space<vmem>>
    %dma_wait3A_270 = tpu.memref_squeeze %dma_wait3A_269 : memref<1x1x56x56xf32, #tpu.memory_space<vmem>> -> memref<56x56xf32, #tpu.memory_space<vmem>>
    tpu.wait_dma2 semaphore(%dma_wait3A_262 : memref<!tpu.dma_semaphore, #tpu.memory_space<semaphore_mem>>) src(%dma_wait3A_270 : memref<56x56xf32, #tpu.memory_space<vmem>>) dst(%dma_wait3A_266 : memref<56x56xf32, #tpu.memory_space<hbm>>)
    %dma_wait3A_271 = arith.constant 0 : i32
    %dma_wait3A_272 = arith.constant 0 : i32
    %dma_wait3A_273 = arith.constant 0 : i32
    %dma_wait3A_274 = arith.constant 0 : i32
    %dma_wait3A_275 = tpu.memref_slice %arg4[%rem3A_230, %dma_wait3A_271, %dma_wait3A_273, %dma_wait3A_274] : memref<2x8x56x56xf32, #tpu.memory_space<vmem>> -> memref<1x1x56x56xf32, #tpu.memory_space<vmem>>
    %dma_wait3A_276 = tpu.memref_squeeze %dma_wait3A_275 : memref<1x1x56x56xf32, #tpu.memory_space<vmem>> -> memref<56x56xf32, #tpu.memory_space<vmem>>
    %dma_wait3A_277 = arith.constant 0 : i32
    %dma_wait3A_278 = arith.constant 0 : i32
    %dma_wait3A_279 = tpu.memref_slice %arg3[%select_n3A, %dma_wait3A_272, %dma_wait3A_277, %dma_wait3A_278] : memref<16x768x56x56xf32, #tpu.memory_space<hbm>> -> memref<1x1x56x56xf32, #tpu.memory_space<hbm>>
    %dma_wait3A_280 = tpu.memref_squeeze %dma_wait3A_279 : memref<1x1x56x56xf32, #tpu.memory_space<hbm>> -> memref<56x56xf32, #tpu.memory_space<hbm>>
    %dma_wait3A_281 = tpu.memref_slice %arg6[%rem3A_230] : memref<2x!tpu.dma_semaphore, #tpu.memory_space<semaphore_mem>> -> memref<1x!tpu.dma_semaphore, #tpu.memory_space<semaphore_mem>>
    %dma_wait3A_282 = tpu.memref_squeeze %dma_wait3A_281 : memref<1x!tpu.dma_semaphore, #tpu.memory_space<semaphore_mem>> -> memref<!tpu.dma_semaphore, #tpu.memory_space<semaphore_mem>>
    %dma_wait3A_283 = arith.constant 0 : i32
    %dma_wait3A_284 = arith.constant 0 : i32
    %dma_wait3A_285 = tpu.memref_slice %arg3[%select_n3A, %dma_wait3A_272, %dma_wait3A_283, %dma_wait3A_284] : memref<16x768x56x56xf32, #tpu.memory_space<hbm>> -> memref<1x1x56x56xf32, #tpu.memory_space<hbm>>
    %dma_wait3A_286 = tpu.memref_squeeze %dma_wait3A_285 : memref<1x1x56x56xf32, #tpu.memory_space<hbm>> -> memref<56x56xf32, #tpu.memory_space<hbm>>
    %dma_wait3A_287 = arith.constant 0 : i32
    %dma_wait3A_288 = arith.constant 0 : i32
    %dma_wait3A_289 = tpu.memref_slice %arg4[%rem3A_230, %dma_wait3A_271, %dma_wait3A_287, %dma_wait3A_288] : memref<2x8x56x56xf32, #tpu.memory_space<vmem>> -> memref<1x1x56x56xf32, #tpu.memory_space<vmem>>
    %dma_wait3A_290 = tpu.memref_squeeze %dma_wait3A_289 : memref<1x1x56x56xf32, #tpu.memory_space<vmem>> -> memref<56x56xf32, #tpu.memory_space<vmem>>
    tpu.wait_dma2 semaphore(%dma_wait3A_282 : memref<!tpu.dma_semaphore, #tpu.memory_space<semaphore_mem>>) src(%dma_wait3A_290 : memref<56x56xf32, #tpu.memory_space<vmem>>) dst(%dma_wait3A_286 : memref<56x56xf32, #tpu.memory_space<hbm>>)
    %dma_wait3A_291 = arith.constant 0 : i32
    %dma_wait3A_292 = arith.constant 0 : i32
    %dma_wait3A_293 = arith.constant 0 : i32
    %dma_wait3A_294 = arith.constant 0 : i32
    %dma_wait3A_295 = tpu.memref_slice %arg4[%rem3A_230, %dma_wait3A_291, %dma_wait3A_293, %dma_wait3A_294] : memref<2x8x56x56xf32, #tpu.memory_space<vmem>> -> memref<1x1x56x56xf32, #tpu.memory_space<vmem>>
    %dma_wait3A_296 = tpu.memref_squeeze %dma_wait3A_295 : memref<1x1x56x56xf32, #tpu.memory_space<vmem>> -> memref<56x56xf32, #tpu.memory_space<vmem>>
    %dma_wait3A_297 = arith.constant 0 : i32
    %dma_wait3A_298 = arith.constant 0 : i32
    %dma_wait3A_299 = tpu.memref_slice %arg3[%select_n3A, %dma_wait3A_292, %dma_wait3A_297, %dma_wait3A_298] : memref<16x768x56x56xf32, #tpu.memory_space<hbm>> -> memref<1x1x56x56xf32, #tpu.memory_space<hbm>>
    %dma_wait3A_300 = tpu.memref_squeeze %dma_wait3A_299 : memref<1x1x56x56xf32, #tpu.memory_space<hbm>> -> memref<56x56xf32, #tpu.memory_space<hbm>>
    %dma_wait3A_301 = tpu.memref_slice %arg6[%rem3A_230] : memref<2x!tpu.dma_semaphore, #tpu.memory_space<semaphore_mem>> -> memref<1x!tpu.dma_semaphore, #tpu.memory_space<semaphore_mem>>
    %dma_wait3A_302 = tpu.memref_squeeze %dma_wait3A_301 : memref<1x!tpu.dma_semaphore, #tpu.memory_space<semaphore_mem>> -> memref<!tpu.dma_semaphore, #tpu.memory_space<semaphore_mem>>
    %dma_wait3A_303 = arith.constant 0 : i32
    %dma_wait3A_304 = arith.constant 0 : i32
    %dma_wait3A_305 = tpu.memref_slice %arg3[%select_n3A, %dma_wait3A_292, %dma_wait3A_303, %dma_wait3A_304] : memref<16x768x56x56xf32, #tpu.memory_space<hbm>> -> memref<1x1x56x56xf32, #tpu.memory_space<hbm>>
    %dma_wait3A_306 = tpu.memref_squeeze %dma_wait3A_305 : memref<1x1x56x56xf32, #tpu.memory_space<hbm>> -> memref<56x56xf32, #tpu.memory_space<hbm>>
    %dma_wait3A_307 = arith.constant 0 : i32
    %dma_wait3A_308 = arith.constant 0 : i32
    %dma_wait3A_309 = tpu.memref_slice %arg4[%rem3A_230, %dma_wait3A_291, %dma_wait3A_307, %dma_wait3A_308] : memref<2x8x56x56xf32, #tpu.memory_space<vmem>> -> memref<1x1x56x56xf32, #tpu.memory_space<vmem>>
    %dma_wait3A_310 = tpu.memref_squeeze %dma_wait3A_309 : memref<1x1x56x56xf32, #tpu.memory_space<vmem>> -> memref<56x56xf32, #tpu.memory_space<vmem>>
    tpu.wait_dma2 semaphore(%dma_wait3A_302 : memref<!tpu.dma_semaphore, #tpu.memory_space<semaphore_mem>>) src(%dma_wait3A_310 : memref<56x56xf32, #tpu.memory_space<vmem>>) dst(%dma_wait3A_306 : memref<56x56xf32, #tpu.memory_space<hbm>>)
    %dma_wait3A_311 = arith.constant 0 : i32
    %dma_wait3A_312 = arith.constant 0 : i32
    %dma_wait3A_313 = arith.constant 0 : i32
    %dma_wait3A_314 = arith.constant 0 : i32
    %dma_wait3A_315 = tpu.memref_slice %arg4[%rem3A_230, %dma_wait3A_311, %dma_wait3A_313, %dma_wait3A_314] : memref<2x8x56x56xf32, #tpu.memory_space<vmem>> -> memref<1x1x56x56xf32, #tpu.memory_space<vmem>>
    %dma_wait3A_316 = tpu.memref_squeeze %dma_wait3A_315 : memref<1x1x56x56xf32, #tpu.memory_space<vmem>> -> memref<56x56xf32, #tpu.memory_space<vmem>>
    %dma_wait3A_317 = arith.constant 0 : i32
    %dma_wait3A_318 = arith.constant 0 : i32
    %dma_wait3A_319 = tpu.memref_slice %arg3[%select_n3A, %dma_wait3A_312, %dma_wait3A_317, %dma_wait3A_318] : memref<16x768x56x56xf32, #tpu.memory_space<hbm>> -> memref<1x1x56x56xf32, #tpu.memory_space<hbm>>
    %dma_wait3A_320 = tpu.memref_squeeze %dma_wait3A_319 : memref<1x1x56x56xf32, #tpu.memory_space<hbm>> -> memref<56x56xf32, #tpu.memory_space<hbm>>
    %dma_wait3A_321 = tpu.memref_slice %arg6[%rem3A_230] : memref<2x!tpu.dma_semaphore, #tpu.memory_space<semaphore_mem>> -> memref<1x!tpu.dma_semaphore, #tpu.memory_space<semaphore_mem>>
    %dma_wait3A_322 = tpu.memref_squeeze %dma_wait3A_321 : memref<1x!tpu.dma_semaphore, #tpu.memory_space<semaphore_mem>> -> memref<!tpu.dma_semaphore, #tpu.memory_space<semaphore_mem>>
    %dma_wait3A_323 = arith.constant 0 : i32
    %dma_wait3A_324 = arith.constant 0 : i32
    %dma_wait3A_325 = tpu.memref_slice %arg3[%select_n3A, %dma_wait3A_312, %dma_wait3A_323, %dma_wait3A_324] : memref<16x768x56x56xf32, #tpu.memory_space<hbm>> -> memref<1x1x56x56xf32, #tpu.memory_space<hbm>>
    %dma_wait3A_326 = tpu.memref_squeeze %dma_wait3A_325 : memref<1x1x56x56xf32, #tpu.memory_space<hbm>> -> memref<56x56xf32, #tpu.memory_space<hbm>>
    %dma_wait3A_327 = arith.constant 0 : i32
    %dma_wait3A_328 = arith.constant 0 : i32
    %dma_wait3A_329 = tpu.memref_slice %arg4[%rem3A_230, %dma_wait3A_311, %dma_wait3A_327, %dma_wait3A_328] : memref<2x8x56x56xf32, #tpu.memory_space<vmem>> -> memref<1x1x56x56xf32, #tpu.memory_space<vmem>>
    %dma_wait3A_330 = tpu.memref_squeeze %dma_wait3A_329 : memref<1x1x56x56xf32, #tpu.memory_space<vmem>> -> memref<56x56xf32, #tpu.memory_space<vmem>>
    tpu.wait_dma2 semaphore(%dma_wait3A_322 : memref<!tpu.dma_semaphore, #tpu.memory_space<semaphore_mem>>) src(%dma_wait3A_330 : memref<56x56xf32, #tpu.memory_space<vmem>>) dst(%dma_wait3A_326 : memref<56x56xf32, #tpu.memory_space<hbm>>)
    %dma_wait3A_331 = arith.constant 0 : i32
    %dma_wait3A_332 = arith.constant 0 : i32
    %dma_wait3A_333 = arith.constant 0 : i32
    %dma_wait3A_334 = arith.constant 0 : i32
    %dma_wait3A_335 = tpu.memref_slice %arg4[%rem3A_230, %dma_wait3A_331, %dma_wait3A_333, %dma_wait3A_334] : memref<2x8x56x56xf32, #tpu.memory_space<vmem>> -> memref<1x1x56x56xf32, #tpu.memory_space<vmem>>
    %dma_wait3A_336 = tpu.memref_squeeze %dma_wait3A_335 : memref<1x1x56x56xf32, #tpu.memory_space<vmem>> -> memref<56x56xf32, #tpu.memory_space<vmem>>
    %dma_wait3A_337 = arith.constant 0 : i32
    %dma_wait3A_338 = arith.constant 0 : i32
    %dma_wait3A_339 = tpu.memref_slice %arg3[%select_n3A, %dma_wait3A_332, %dma_wait3A_337, %dma_wait3A_338] : memref<16x768x56x56xf32, #tpu.memory_space<hbm>> -> memref<1x1x56x56xf32, #tpu.memory_space<hbm>>
    %dma_wait3A_340 = tpu.memref_squeeze %dma_wait3A_339 : memref<1x1x56x56xf32, #tpu.memory_space<hbm>> -> memref<56x56xf32, #tpu.memory_space<hbm>>
    %dma_wait3A_341 = tpu.memref_slice %arg6[%rem3A_230] : memref<2x!tpu.dma_semaphore, #tpu.memory_space<semaphore_mem>> -> memref<1x!tpu.dma_semaphore, #tpu.memory_space<semaphore_mem>>
    %dma_wait3A_342 = tpu.memref_squeeze %dma_wait3A_341 : memref<1x!tpu.dma_semaphore, #tpu.memory_space<semaphore_mem>> -> memref<!tpu.dma_semaphore, #tpu.memory_space<semaphore_mem>>
    %dma_wait3A_343 = arith.constant 0 : i32
    %dma_wait3A_344 = arith.constant 0 : i32
    %dma_wait3A_345 = tpu.memref_slice %arg3[%select_n3A, %dma_wait3A_332, %dma_wait3A_343, %dma_wait3A_344] : memref<16x768x56x56xf32, #tpu.memory_space<hbm>> -> memref<1x1x56x56xf32, #tpu.memory_space<hbm>>
    %dma_wait3A_346 = tpu.memref_squeeze %dma_wait3A_345 : memref<1x1x56x56xf32, #tpu.memory_space<hbm>> -> memref<56x56xf32, #tpu.memory_space<hbm>>
    %dma_wait3A_347 = arith.constant 0 : i32
    %dma_wait3A_348 = arith.constant 0 : i32
    %dma_wait3A_349 = tpu.memref_slice %arg4[%rem3A_230, %dma_wait3A_331, %dma_wait3A_347, %dma_wait3A_348] : memref<2x8x56x56xf32, #tpu.memory_space<vmem>> -> memref<1x1x56x56xf32, #tpu.memory_space<vmem>>
    %dma_wait3A_350 = tpu.memref_squeeze %dma_wait3A_349 : memref<1x1x56x56xf32, #tpu.memory_space<vmem>> -> memref<56x56xf32, #tpu.memory_space<vmem>>
    tpu.wait_dma2 semaphore(%dma_wait3A_342 : memref<!tpu.dma_semaphore, #tpu.memory_space<semaphore_mem>>) src(%dma_wait3A_350 : memref<56x56xf32, #tpu.memory_space<vmem>>) dst(%dma_wait3A_346 : memref<56x56xf32, #tpu.memory_space<hbm>>)
    %dma_wait3A_351 = arith.constant 0 : i32
    %dma_wait3A_352 = arith.constant 0 : i32
    %dma_wait3A_353 = arith.constant 0 : i32
    %dma_wait3A_354 = arith.constant 0 : i32
    %dma_wait3A_355 = tpu.memref_slice %arg4[%rem3A_230, %dma_wait3A_351, %dma_wait3A_353, %dma_wait3A_354] : memref<2x8x56x56xf32, #tpu.memory_space<vmem>> -> memref<1x1x56x56xf32, #tpu.memory_space<vmem>>
    %dma_wait3A_356 = tpu.memref_squeeze %dma_wait3A_355 : memref<1x1x56x56xf32, #tpu.memory_space<vmem>> -> memref<56x56xf32, #tpu.memory_space<vmem>>
    %dma_wait3A_357 = arith.constant 0 : i32
    %dma_wait3A_358 = arith.constant 0 : i32
    %dma_wait3A_359 = tpu.memref_slice %arg3[%select_n3A, %dma_wait3A_352, %dma_wait3A_357, %dma_wait3A_358] : memref<16x768x56x56xf32, #tpu.memory_space<hbm>> -> memref<1x1x56x56xf32, #tpu.memory_space<hbm>>
    %dma_wait3A_360 = tpu.memref_squeeze %dma_wait3A_359 : memref<1x1x56x56xf32, #tpu.memory_space<hbm>> -> memref<56x56xf32, #tpu.memory_space<hbm>>
    %dma_wait3A_361 = tpu.memref_slice %arg6[%rem3A_230] : memref<2x!tpu.dma_semaphore, #tpu.memory_space<semaphore_mem>> -> memref<1x!tpu.dma_semaphore, #tpu.memory_space<semaphore_mem>>
    %dma_wait3A_362 = tpu.memref_squeeze %dma_wait3A_361 : memref<1x!tpu.dma_semaphore, #tpu.memory_space<semaphore_mem>> -> memref<!tpu.dma_semaphore, #tpu.memory_space<semaphore_mem>>
    %dma_wait3A_363 = arith.constant 0 : i32
    %dma_wait3A_364 = arith.constant 0 : i32
    %dma_wait3A_365 = tpu.memref_slice %arg3[%select_n3A, %dma_wait3A_352, %dma_wait3A_363, %dma_wait3A_364] : memref<16x768x56x56xf32, #tpu.memory_space<hbm>> -> memref<1x1x56x56xf32, #tpu.memory_space<hbm>>
    %dma_wait3A_366 = tpu.memref_squeeze %dma_wait3A_365 : memref<1x1x56x56xf32, #tpu.memory_space<hbm>> -> memref<56x56xf32, #tpu.memory_space<hbm>>
    %dma_wait3A_367 = arith.constant 0 : i32
    %dma_wait3A_368 = arith.constant 0 : i32
    %dma_wait3A_369 = tpu.memref_slice %arg4[%rem3A_230, %dma_wait3A_351, %dma_wait3A_367, %dma_wait3A_368] : memref<2x8x56x56xf32, #tpu.memory_space<vmem>> -> memref<1x1x56x56xf32, #tpu.memory_space<vmem>>
    %dma_wait3A_370 = tpu.memref_squeeze %dma_wait3A_369 : memref<1x1x56x56xf32, #tpu.memory_space<vmem>> -> memref<56x56xf32, #tpu.memory_space<vmem>>
    tpu.wait_dma2 semaphore(%dma_wait3A_362 : memref<!tpu.dma_semaphore, #tpu.memory_space<semaphore_mem>>) src(%dma_wait3A_370 : memref<56x56xf32, #tpu.memory_space<vmem>>) dst(%dma_wait3A_366 : memref<56x56xf32, #tpu.memory_space<hbm>>)
    %dma_wait3A_371 = arith.constant 0 : i32
    %dma_wait3A_372 = arith.constant 0 : i32
    %dma_wait3A_373 = arith.constant 0 : i32
    %dma_wait3A_374 = arith.constant 0 : i32
    %dma_wait3A_375 = tpu.memref_slice %arg4[%rem3A_230, %dma_wait3A_371, %dma_wait3A_373, %dma_wait3A_374] : memref<2x8x56x56xf32, #tpu.memory_space<vmem>> -> memref<1x1x56x56xf32, #tpu.memory_space<vmem>>
    %dma_wait3A_376 = tpu.memref_squeeze %dma_wait3A_375 : memref<1x1x56x56xf32, #tpu.memory_space<vmem>> -> memref<56x56xf32, #tpu.memory_space<vmem>>
    %dma_wait3A_377 = arith.constant 0 : i32
    %dma_wait3A_378 = arith.constant 0 : i32
    %dma_wait3A_379 = tpu.memref_slice %arg3[%select_n3A, %dma_wait3A_372, %dma_wait3A_377, %dma_wait3A_378] : memref<16x768x56x56xf32, #tpu.memory_space<hbm>> -> memref<1x1x56x56xf32, #tpu.memory_space<hbm>>
    %dma_wait3A_380 = tpu.memref_squeeze %dma_wait3A_379 : memref<1x1x56x56xf32, #tpu.memory_space<hbm>> -> memref<56x56xf32, #tpu.memory_space<hbm>>
    %dma_wait3A_381 = tpu.memref_slice %arg6[%rem3A_230] : memref<2x!tpu.dma_semaphore, #tpu.memory_space<semaphore_mem>> -> memref<1x!tpu.dma_semaphore, #tpu.memory_space<semaphore_mem>>
    %dma_wait3A_382 = tpu.memref_squeeze %dma_wait3A_381 : memref<1x!tpu.dma_semaphore, #tpu.memory_space<semaphore_mem>> -> memref<!tpu.dma_semaphore, #tpu.memory_space<semaphore_mem>>
    %dma_wait3A_383 = arith.constant 0 : i32
    %dma_wait3A_384 = arith.constant 0 : i32
    %dma_wait3A_385 = tpu.memref_slice %arg3[%select_n3A, %dma_wait3A_372, %dma_wait3A_383, %dma_wait3A_384] : memref<16x768x56x56xf32, #tpu.memory_space<hbm>> -> memref<1x1x56x56xf32, #tpu.memory_space<hbm>>
    %dma_wait3A_386 = tpu.memref_squeeze %dma_wait3A_385 : memref<1x1x56x56xf32, #tpu.memory_space<hbm>> -> memref<56x56xf32, #tpu.memory_space<hbm>>
    %dma_wait3A_387 = arith.constant 0 : i32
    %dma_wait3A_388 = arith.constant 0 : i32
    %dma_wait3A_389 = tpu.memref_slice %arg4[%rem3A_230, %dma_wait3A_371, %dma_wait3A_387, %dma_wait3A_388] : memref<2x8x56x56xf32, #tpu.memory_space<vmem>> -> memref<1x1x56x56xf32, #tpu.memory_space<vmem>>
    %dma_wait3A_390 = tpu.memref_squeeze %dma_wait3A_389 : memref<1x1x56x56xf32, #tpu.memory_space<vmem>> -> memref<56x56xf32, #tpu.memory_space<vmem>>
    tpu.wait_dma2 semaphore(%dma_wait3A_382 : memref<!tpu.dma_semaphore, #tpu.memory_space<semaphore_mem>>) src(%dma_wait3A_390 : memref<56x56xf32, #tpu.memory_space<vmem>>) dst(%dma_wait3A_386 : memref<56x56xf32, #tpu.memory_space<hbm>>)
    return
  }
}

</mosaic_0001>

<sc_bundles>
// kernel: kernel.3.cloned.1.call-start
scs
__scs_entry_jumppad:
0x0: {  	(pc) =	sbr.rel $0x88, $3  }
0x1: {  	(tag) =	ssettag $0x0;
	lr =	simm.s32 $0x1  }
0x2: {  	[smem:$0x3FA0] =	sst lr;
	_ =	strace $0xD0000000  }
0x3: {  	_ = 	snop  }
0x4: {  	_ = 	snop  }
0x5: {  	_ = 	snop  }
0x6: {  	_ = 	snop  }
0x7: {  	_ = 	snop  }
__scs_overlays_trampoline_lowered:
0x8: {  	[smem:$0x3FAF] =	sst s0  }
0x9: {  	[smem:$0x3FB0] =	sst s1  }
0xa: {  	[smem:$0x3FB1] =	sst s2  }
0xb: {  	[smem:$0x3FB2] =	sst s3  }
0xc: {  	[smem:$0x3FB3] =	sst s4  }
0xd: {  	[smem:$0x3FB4] =	sst s5  }
0xe: {  	[smem:$0x3FB5] =	sst s6  }
0xf: {  	[smem:$0x3FB6] =	sst s7  }
0x10: {  	[smem:$0x3FB7] =	sst s8  }
0x11: {  	[smem:$0x3FB8] =	sst s9;
	s0 =	simm.s32 @!p0 $0x0  }
0x12: {  	s1 =	sld [smem:$0x3F9E];
	s0 =	simm.s32 @p0 $0x1  }
0x13: {  	[smem:$0x3FB9] =	sst s0;
	s0 =	simm.s32 @!p1 $0x0  }
0x14: {  	s2 =	sld [smem:$0x3F9D];
	s0 =	simm.s32 @p1 $0x1  }
0x15: {  	[smem:$0x3FBA] =	sst s0;
	s0 =	simm.s32 @!p2 $0x0  }
0x16: {  	s3 =	sld [smem:$0x3FDB];
	s0 =	simm.s32 @p2 $0x1  }
0x17: {  	s4 =	simm.s32 $0x1BF5;
	[smem:$0x3FBC] =	sst s0  }
0x18: {  	s0 =	sld [smem:$0x3F9F];
	_ =	swait.ge [sflag:s4], $0x0  }
0x19: {  	s7 =	sld [smem:$0x3FA0]  }
0x1a: {  	s8 =	sadd.s32 $0xFFFFE003, lr  }
0x1b: {  	s9 =	sadd.s32 $0xFFFFFEF7, lr;
	s5 =	simm.s32 $0xFFFFFFFF;
	p2 =	slt.u32 s8, $0xFFFFF086  }
0x1c: {  	p1 =	slt.u32 s9, $0xF7A;
	s5 =	simm.s32 @!p2 $0x0  }
0x1d: {  	s5 =	simm.s32 @p1 $0x1;
	p0 =	seq.s32 s7, s2  }
0x1e: {  	s7 =	smul.u32 @!p0 $0xF7A, s2;
	p2 =	seq.s32 @!p0 s5, $0x0  }
0x1f: {  	s9 =	smul.u32 $0xF7A, s1;
	s8 =	simm.s32 @!p0 $0x1BF5;
	p2 =	por !p2, p0  }
0x20: {  	[sflag:s8] =	ssyncset.s32 @!p0 $0xFFFFF086;
	s6 =	sadd.s32 @!p0 s3, s7;
	s7 =	simm.s32 @!p0 $0x108  }
0x21: {  	s3 =	sadd.s32 s3, s9;
	s6 =	sadd.s32 @!p0 $0x88, s6;
	s7 =	simm.s32 @p2 $0x1082  }
0x22: {  	[simem:s7], [sflag:s8] =	dma.local @!p0 [hbm:s6], $0xF7A  }
0x23: {  	s9 =	sor.u32 $0xD0000000, s2;
	s6 =	simm.s32 $0x108;
	_ =	swait.ge @!p0 [sflag:s8], $0x0  }
0x24: {  	s3 =	sadd.s32 $0x88, s3;
	s6 =	simm.s32 @!p1 $0x1082;
	[sflag:s4] =	ssyncset.s32 $0xFFFFF086  }
0x25: {  	[simem:s6], [sflag:s4] =	dma.local [hbm:s3], $0xF7A  }
0x26: {  	[smem:$0x3FA0] =	sst s1;
	(tag) =	ssettag s2;
	_ =	strace s9  }
0x27: {  	s1 =	sld [smem:$0x3FB0]  }
0x28: {  	s2 =	sld [smem:$0x3FB1]  }
0x29: {  	s4 =	sld [smem:$0x3FB3]  }
0x2a: {  	p0 =	seq.s32 s5, $0x0;
	s5 =	sld [smem:$0x3FB4]  }
0x2b: {  	s6 =	sld [smem:$0x3FB5]  }
0x2c: {  	s7 =	sld [smem:$0x3FB6]  }
0x2d: {  	s3 =	simm.s32 $0x108;
	s8 =	sld [smem:$0x3FB7]  }
0x2e: {  	s3 =	simm.s32 @!p0 $0x1082;
	s9 =	sld [smem:$0x3FB8]  }
0x2f: {  	lr =	sadd.s32 s0, s3;
	s0 =	sld [smem:$0x3FAF]  }
0x30: {  	s3 =	sld [smem:$0x3FB2]  }
0x31: {  	[smem:$0x3FBB] =	sst s10  }
0x32: {  	s10 =	sld [smem:$0x3FB9];
	_ =	sdelay $0x3  }
0x33: {  	p0 =	seq.s32 s10, $0x1;
	s10 =	sld [smem:$0x3FBB];
	_ =	sdelay $0x3  }
0x34: {  	[smem:$0x3FBB] =	sst s10  }
0x35: {  	s10 =	sld [smem:$0x3FBA];
	_ =	sdelay $0x3  }
0x36: {  	p1 =	seq.s32 s10, $0x1;
	s10 =	sld [smem:$0x3FBB];
	_ =	sdelay $0x3  }
0x37: {  	[smem:$0x3FBB] =	sst s10  }
0x38: {  	s10 =	sld [smem:$0x3FBC]  }
0x39: {  	_ = 	snop;
	(pc) =	sbr.ind lr, $3  }
0x3a: {  	_ = 	snop  }
0x3b: {  	_ = 	snop  }
0x3c: {  	p2 =	seq.s32 s10, $0x1;
	s10 =	sld [smem:$0x3FBB]  }
0x3d: {  	_ =	shalt  }
0x3e: {  	_ =	shalt  }
0x3f: {  	_ =	shalt  }
0x40: {  	_ =	shalt  }
0x41: {  	_ =	shalt  }
0x42: {  	_ =	shalt  }
0x43: {  	_ =	shalt  }
0x44: {  	_ =	shalt  }
0x45: {  	_ =	shalt  }
0x46: {  	_ =	shalt  }
0x47: {  	_ =	shalt  }
0x48: {  	_ =	shalt  }
0x49: {  	_ =	shalt  }
0x4a: {  	_ =	shalt  }
0x4b: {  	_ =	shalt  }
0x4c: {  	_ =	shalt  }
0x4d: {  	_ =	shalt  }
0x4e: {  	_ =	shalt  }
0x4f: {  	_ =	shalt  }
0x50: {  	_ =	shalt  }
0x51: {  	_ =	shalt  }
0x52: {  	_ =	shalt  }
0x53: {  	_ =	shalt  }
0x54: {  	_ =	shalt  }
0x55: {  	_ =	shalt  }
0x56: {  	_ =	shalt  }
0x57: {  	_ =	shalt  }
0x58: {  	_ =	shalt  }
0x59: {  	_ =	shalt  }
0x5a: {  	_ =	shalt  }
0x5b: {  	_ =	shalt  }
0x5c: {  	_ =	shalt  }
0x5d: {  	_ =	shalt  }
0x5e: {  	_ =	shalt  }
0x5f: {  	_ =	shalt  }
0x60: {  	_ =	shalt  }
0x61: {  	_ =	shalt  }
0x62: {  	_ =	shalt  }
0x63: {  	_ =	shalt  }
0x64: {  	_ =	shalt  }
0x65: {  	_ =	shalt  }
0x66: {  	_ =	shalt  }
0x67: {  	_ =	shalt  }
0x68: {  	_ =	shalt  }
0x69: {  	_ =	shalt  }
0x6a: {  	_ =	shalt  }
0x6b: {  	_ =	shalt  }
0x6c: {  	_ =	shalt  }
0x6d: {  	_ =	shalt  }
0x6e: {  	_ =	shalt  }
0x6f: {  	_ =	shalt  }
0x70: {  	_ =	shalt  }
0x71: {  	_ =	shalt  }
0x72: {  	_ =	shalt  }
0x73: {  	_ =	shalt  }
0x74: {  	_ =	shalt  }
0x75: {  	_ =	shalt  }
0x76: {  	_ =	shalt  }
0x77: {  	_ =	shalt  }
0x78: {  	_ =	shalt  }
0x79: {  	_ =	shalt  }
0x7a: {  	_ =	shalt  }
0x7b: {  	_ =	shalt  }
0x7c: {  	_ =	shalt  }
0x7d: {  	_ =	shalt  }
0x7e: {  	_ =	shalt  }
0x7f: {  	_ =	shalt  }
0x80: {  	_ =	shalt  }
0x81: {  	_ =	shalt  }
0x82: {  	_ =	shalt  }
0x83: {  	_ =	shalt  }
0x84: {  	_ =	shalt  }
0x85: {  	_ =	shalt  }
0x86: {  	_ =	shalt  }
0x87: {  	_ =	shalt  }
.Lfunc_end0:
.L_simem_size_0:
called_computation_lowered:
.L_overlay_start_0:
0x88: {  	s2 =	sld [smem:$0x3FD9]  }
0x89: {  	s3 =	sld [smem:$0x3FFE];
	_ =	sdelay $0x1  }
0x8a: {  	s1 =	srdreg.scid  }
0x8b: {  	s0 =	sand.u32 $0x1, s1  }
0x8c: {  	s16 =	sshll.u32 s0, $0xA;
	s2 =	sadd.s32 s3, s2  }
0x8d: {  	s2 =	sadd.s32 s2, s16  }
0x8e: {  	[smem:$0x3FC7] =	sst s2  }
0x8f: {  	_ = 	snop  }
0x90: {  	(tm) =	ssettm $0x1  }
0x91: {  	s17 =	sld [smem:$0x3FFB];
	_ =	sdelay $0x3  }
0x92: {  	_ =	strace s17  }
0x93: {  	s2 =	sld [smem:$0x3FFC];
	_ =	sdelay $0x3  }
0x94: {  	_ =	strace s2  }
0x95: {  	s2 =	sld [smem:$0x3FFD];
	_ =	sdelay $0x3  }
0x96: {  	_ =	strace s2  }
0x97: {  	_ =	strace $0x8FFFFFFF  }
0x98: {  	s18 =	sld [smem:$0x3FDB];
	_ =	sdelay $0x1  }
0x99: {  	s19 =	simm.s32 $_scs_section_size  }
0x9a: {  	s4 =	simm.s32 $_size__tile_overlayer_lowered;
	s5 =	simm.s32 $_tile_overlayer_lowered  }
0x9b: {  	s22 =	simm.s32 $0x1BFF;
	s21 =	sshll.u32 s5, $0x1;
	s2 =	sadd.s32 s19, s18  }
0x9c: {  	s6 =	simm.s32 $0x0;
	s20 =	sshll.u32 s4, $0x1;
	s4 =	sadd.s32 s21, s2  }
0x9d: {  	[timem:s6], [sflag:s22] =	dma.local [hbm:s4], s20  }
0x9e: {  	_ =	swait.ge [sflag:s22], s20  }
0x9f: {  	s3 =	ssub.s32 $0x0, s20;
	[sflag:s22] =	ssyncset.done $0x0  }
0xa0: {  	[sflag:s22] =	ssyncadd.s32 s3;
	_ =	sdelay $0x1  }
0xa1: {  	s23 =	simm.s32 $0x1B8B  }
0xa2: {  	_ =	swait.ge [sflag:s23], $0x1  }
0xa3: {  	[sflag:s23] =	ssyncset.done $0x0  }
0xa4: {  	s25 =	simm.s32 $0x1B8E;
	s24 =	sld [smem:$0x3FFE];
	[sflag:s23] =	ssyncadd.s32 $0xFFFFFFFF  }
0xa5: {  	s26 =	simm.s32 $execute0_lowered;
	[smem:$0x3FD2] =	sst s25  }
0xa6: {  	s4 =	sshll.u32 s26, $0x1;
	_ =	strace $0x80000046;
	[dreg:$0x1] =	wrdreg $0xFFFFFFFF  }
0xa7: {  	s28 =	simm.s32 $_size_execute0_lowered;
	s2 =	sadd.s32 s2, s4;
	[dreg:$0x0] =	wrdreg $0x0  }
0xa8: {  	s4 =	sshll.u32 s28, $0x1;
	[dreg:$0x2] =	wrdreg s2  }
0xa9: {  	[dreg:$0x3] =	wrdreg s4  }
0xaa: {  	[dreg:$0x4] =	wrdreg $0xC0  }
0xab: {  	_ =	task [dreg:s6], $0x5FFFF  }
0xac: {  	[dreg:$0x1] =	wrdreg $0xFFFFFFFF  }
0xad: {  	[dreg:$0x0] =	wrdreg $0x60  }
0xae: {  	[dreg:$0x2] =	wrdreg s24  }
0xaf: {  	[dreg:$0x3] =	wrdreg $0x9  }
0xb0: {  	_ =	task.clear_ibuf [dreg:s6], $0x4FFFF;
	_ =	strace $0x90000046  }
0xb1: {  	s29 =	simm.s32 $0x9;
	_ =	strace $0x80000048  }
0xb2: {  	_ =	swait.ge [sflag:s29], $0x1  }
0xb3: {  	[sflag:s29] =	ssyncadd.s32 $0xFFFFFFFF  }
0xb4: {  	_ =	strace $0x90000048  }
0xb5: {  	_ =	sfence  }
0xb6: {  	s30 =	sld [smem:$0x0];
	_ =	sdelay $0x2  }
0xb7: {  	s31 =	sshll.u32 s1, $0xD;
	s1 =	sshrl.u32 s1, $0x2  }
0xb8: {  	s3 =	sand.u32 $0x4000, s31;
	s1 =	sadd.s32 s1, s30  }
0xb9: {  	s0 =	sor.u32 s3, s0;
	s1 =	sshll.u32 s1, $0x11  }
0xba: {  	s0 =	sor.u32 s1, s0  }
0xbb: {  	s0 =	sadd.s32 $0x8F2B, s0  }
0xbc: {  	[sflag:s0] =	ssyncadd.remote.s32 $0x1  }
0xbd: {  	_ =	sfence.sel $0xFFFF  }
0xbe: {  	[dreg:$0x0] =	wrdreg $0xFFFFFFFF;
	(pc) =	sbr.abs _section_cstart, $3  }
0xbf: {  	[dreg:$0x1] =	wrdreg $0xFFFFFFFF  }
0xc0: {  	_ =	task.clear_ibuf [dreg:s6], $0x2FFFF;
	_ =	strace $0x9FFFFFFF  }
0xc1: {  	(tm) =	ssettm $0x7FFFFFFF  }
tec
execute0_lowered:
.L_overlay_start_1:
0x0: {  	(tag) =	ssettag $0x1  }
0x1: {  	s1 =	srdreg.scid  }
0x2: {  	s0 =	stileid.u32;
	s4 =	sand.u32 $0x1, s1  }
0x3: {  	s1 =	sor.u32 s4, s0  }
0x4: {  	p1 =	seq.s32 s4, $0x1;
	p0 =	seq.s32 s1, $0x0  }
0x5: {  	s5 =	rddreg [dreg:$0x0];
	p0 =	por !p0, !p1  }
0x6: {  	s8 =	simm.s32 $0x0;
	s1 =	simm.s32 $0x1;
	p0 =	por !p0, !p0  }
0x7: {  	s3 =	simm.s32 $0x0;
	s8 =	simm.s32 @!p1 $0x180;
	s1 =	simm.s32 @!p0 $0x0  }
0x8: {  	s11 =	simm.s32 $0x4;
	s9 =	smul.u32 $0x1C00, s8;
	s1 =	ssub.s32 s0, s1  }
0x9: {  	s12 =	simm.s32 $0x0;
	s6 =	ssub.s32 $0x2, s4;
	s2 =	smul.u32 $0x540000, s1  }
.Ltmp0:
0xa: {  	[smem:$0x7FF] =	sst s3;
	s10 =	sshrl.u32 s6, $0x1;
	(pc) =	sbr.rel .LBB2_1-.Ltmp0, $4  }
0xb: {  	s4 =	sadd.s32 $0x400, s5;
	s5 =	sadd.s32 $0xA80400, s5;
	s10 =	ssub.s32 s6, s10  }
0xc: {  	s8 =	smul.u32 $0xFFFFE400, s8;
	s1 =	rddreg [dreg:$0x1];
	s7 =	sadd.s32 s9, s2  }
0xd: {  	_ =	strace $0x80000047;
	s9 =	sor.u32 $0xE000, s9;
	s7 =	sshrl.u32 s7, $0x3  }
0xe: {  	s6 =	sadd.s32 s4, s7;
	s7 =	smax.u32 s10, $0x1;
	s10 =	simm.s32 $0x3  }
.LBB2_7:
0xf: {  	_ =	swait.ge [sflag:s10], $0x1C00  }
0x10: {  	[sflag:s10] =	ssyncset.done $0x0  }
0x11: {  	[sflag:s10] =	ssyncadd.s32 $0xFFFFE400  }
0x12: {  	_ =	swait.ge [sflag:s10], $0x1C00  }
0x13: {  	[sflag:s10] =	ssyncset.done $0x0  }
0x14: {  	[sflag:s10] =	ssyncadd.s32 $0xFFFFE400  }
0x15: {  	_ =	swait.ge [sflag:s10], $0x1C00  }
0x16: {  	[sflag:s10] =	ssyncset.done $0x0  }
0x17: {  	[sflag:s10] =	ssyncadd.s32 $0xFFFFE400  }
0x18: {  	_ =	swait.ge [sflag:s10], $0x1C00  }
0x19: {  	[sflag:s10] =	ssyncset.done $0x0  }
0x1a: {  	[sflag:s10] =	ssyncadd.s32 $0xFFFFE400  }
0x1b: {  	_ =	swait.ge [sflag:s10], $0x1C00  }
0x1c: {  	[sflag:s10] =	ssyncset.done $0x0  }
0x1d: {  	[sflag:s10] =	ssyncadd.s32 $0xFFFFE400  }
0x1e: {  	_ =	swait.ge [sflag:s10], $0x1C00  }
0x1f: {  	[sflag:s10] =	ssyncset.done $0x0  }
0x20: {  	[sflag:s10] =	ssyncadd.s32 $0xFFFFE400  }
0x21: {  	_ =	swait.ge [sflag:s10], $0x1C00  }
0x22: {  	[sflag:s10] =	ssyncset.done $0x0  }
0x23: {  	[sflag:s10] =	ssyncadd.s32 $0xFFFFE400  }
0x24: {  	_ =	swait.ge [sflag:s10], $0x1C00  }
0x25: {  	[sflag:s10] =	ssyncset.done $0x0  }
0x26: {  	[sflag:s10] =	ssyncadd.s32 $0xFFFFE400  }
0x27: {  	_ =	swait.ge [sflag:s11], $0x1C00  }
0x28: {  	[sflag:s11] =	ssyncset.done $0x0  }
0x29: {  	[sflag:s11] =	ssyncadd.s32 $0xFFFFE400  }
0x2a: {  	_ =	swait.ge [sflag:s11], $0x1C00  }
0x2b: {  	[sflag:s11] =	ssyncset.done $0x0  }
0x2c: {  	[sflag:s11] =	ssyncadd.s32 $0xFFFFE400  }
0x2d: {  	_ =	swait.ge [sflag:s11], $0x1C00  }
0x2e: {  	[sflag:s11] =	ssyncset.done $0x0  }
0x2f: {  	[sflag:s11] =	ssyncadd.s32 $0xFFFFE400  }
0x30: {  	_ =	swait.ge [sflag:s11], $0x1C00  }
0x31: {  	[sflag:s11] =	ssyncset.done $0x0  }
0x32: {  	[sflag:s11] =	ssyncadd.s32 $0xFFFFE400  }
0x33: {  	_ =	swait.ge [sflag:s11], $0x1C00  }
0x34: {  	[sflag:s11] =	ssyncset.done $0x0  }
0x35: {  	[sflag:s11] =	ssyncadd.s32 $0xFFFFE400  }
0x36: {  	_ =	swait.ge [sflag:s11], $0x1C00  }
0x37: {  	[sflag:s11] =	ssyncset.done $0x0  }
0x38: {  	s12 =	sadd.s32 $0x1, s12;
	[sflag:s11] =	ssyncadd.s32 $0xFFFFE400  }
0x39: {  	p0 =	sne.s32 s12, s7;
	_ =	swait.ge [sflag:s11], $0x1C00  }
.Ltmp1:
0x3a: {  	[sflag:s11] =	ssyncset.done $0x0;
	(pc) =	sbr.rel @!p0 .LBB2_8-.Ltmp1, $4  }
0x3b: {  	[sflag:s11] =	ssyncadd.s32 $0xFFFFE400  }
0x3c: {  	_ =	swait.ge [sflag:s11], $0x1C00  }
0x3d: {  	[sflag:s11] =	ssyncset.done $0x0  }
0x3e: {  	[sflag:s11] =	ssyncadd.s32 $0xFFFFE400  }
.LBB2_1:
.Ltmp2:
0x3f: {  	(pc) =	sbr.rel .LBB2_2-.Ltmp2, $3  }
0x40: {  	_ =	sdelay $0x1  }
0x41: {  	[tilespmem:s3], [sflag:$0x1] =	stream.linear.gather [hbm4b:s6+s3], $0xE000, $0x38;
	[tilespmem:$0x1C000] =	vst v63  }
0x42: {  	s13 =	smov.u32 s9;
	s14 =	smov.u32 s8;
	s16 =	simm.s32 $0x0  }
.LBB2_5:
0x43: {  	s17 =	sand.u32 $0x1, s15  }
0x44: {  	s18 =	sadd.s32 s13, s2;
	s19 =	smul.u32 $0x38000, s17  }
0x45: {  	s18 =	sshrl.u32 s18, $0x3  }
0x46: {  	s17 =	sadd.s32 $0x1, s17;
	s18 =	sadd.s32 s4, s18;
	s19 =	sshrl.u32 s19, $0x2  }
0x47: {  	[tilespmem:s19], [sflag:s17] =	stream.linear.gather [hbm4b:s18+s3], $0xE000, $0x38;
	[tilespmem:$0x1C000] =	vst v63  }
.LBB2_6:
0x48: {  	s16 =	sand.u32 $0x1, s16;
	s18 =	sadd.s32 s14, s2  }
0x49: {  	s17 =	sadd.s32 $0x1, s16;
	s19 =	sadd.s32 $0x53E400, s18  }
0x4a: {  	s20 =	smul.u32 $0x38000, s16;
	s16 =	sadd.s32 $0x3, s16;
	_ =	swait.ge [sflag:s17], $0xE000  }
0x4b: {  	s29 =	sadd.s32 $0x53C800, s18;
	s28 =	sshrl.u32 s19, $0x3;
	[sflag:s17] =	ssyncset.done $0x0  }
0x4c: {  	s19 =	sshrl.u32 s20, $0x2;
	[sflag:s17] =	ssyncadd.s32 $0xFFFF2000;
	s17 =	sadd.s32 s5, s28  }
0x4d: {  	[hbm4b:s17+s3] =	stream.linear.scatter [tilespmem:s19], [sflag:s16], $0x1C00, $0x38;
	[tilespmem:$0x1C000] =	vst v63  }
0x4e: {  	s17 =	sshrl.u32 s29, $0x3  }
0x4f: {  	s30 =	sadd.s32 $0x53AC00, s18;
	s20 =	sor.u32 $0x1C00, s19;
	s17 =	sadd.s32 s5, s17  }
0x50: {  	[hbm4b:s17+s3] =	stream.linear.scatter [tilespmem:s20], [sflag:s16], $0x1C00, $0x38;
	[tilespmem:$0x1C000] =	vst v63  }
0x51: {  	s17 =	sshrl.u32 s30, $0x3  }
0x52: {  	s21 =	sadd.s32 $0x539000, s18;
	s31 =	sadd.s32 $0x3800, s19;
	s17 =	sadd.s32 s5, s17  }
0x53: {  	[hbm4b:s17+s3] =	stream.linear.scatter [tilespmem:s31], [sflag:s16], $0x1C00, $0x38;
	[tilespmem:$0x1C000] =	vst v63  }
0x54: {  	s17 =	sshrl.u32 s21, $0x3  }
0x55: {  	s23 =	sadd.s32 $0x537400, s18;
	s22 =	sadd.s32 $0x5400, s19;
	s17 =	sadd.s32 s5, s17  }
0x56: {  	[hbm4b:s17+s3] =	stream.linear.scatter [tilespmem:s22], [sflag:s16], $0x1C00, $0x38;
	[tilespmem:$0x1C000] =	vst v63  }
0x57: {  	s17 =	sshrl.u32 s23, $0x3  }
0x58: {  	s25 =	sadd.s32 $0x535800, s18;
	s24 =	sadd.s32 $0x7000, s19;
	s17 =	sadd.s32 s5, s17  }
0x59: {  	[hbm4b:s17+s3] =	stream.linear.scatter [tilespmem:s24], [sflag:s16], $0x1C00, $0x38;
	[tilespmem:$0x1C000] =	vst v63  }
0x5a: {  	s17 =	sshrl.u32 s25, $0x3  }
0x5b: {  	s26 =	sadd.s32 $0x8C00, s19;
	s28 =	sadd.s32 $0x533C00, s18;
	s17 =	sadd.s32 s5, s17  }
0x5c: {  	[hbm4b:s17+s3] =	stream.linear.scatter [tilespmem:s26], [sflag:s16], $0x1C00, $0x38;
	[tilespmem:$0x1C000] =	vst v63  }
0x5d: {  	s17 =	sshrl.u32 s28, $0x3  }
0x5e: {  	p0 =	sne.s32 s15, $0x30;
	s29 =	sadd.s32 $0xA800, s19;
	s17 =	sadd.s32 s5, s17  }
0x5f: {  	[hbm4b:s17+s3] =	stream.linear.scatter [tilespmem:s29], [sflag:s16], $0x1C00, $0x38;
	[tilespmem:$0x1C000] =	vst v63  }
.Ltmp3:
0x60: {  	s30 =	sadd.s32 $0x532000, s18;
	(pc) =	sbr.rel @!p0 .LBB2_7-.Ltmp3, $4  }
0x61: {  	s17 =	sshrl.u32 s30, $0x3  }
0x62: {  	s31 =	sadd.s32 $0xC400, s19;
	s17 =	sadd.s32 s5, s17  }
0x63: {  	[hbm4b:s17+s3] =	stream.linear.scatter [tilespmem:s31], [sflag:s16], $0x1C00, $0x38;
	[tilespmem:$0x1C000] =	vst v63  }
0x64: {  	s14 =	sadd.s32 $0xFFFF2000, s14;
	s13 =	sadd.s32 $0xE000, s13;
	s16 =	smov.u32 s15  }
.LBB2_2:
0x65: {  	p0 =	seq.s32 s16, $0x0  }
.Ltmp4:
0x66: {  	_ = 	snop;
	(pc) =	sbr.rel @p0 .LBB2_5-.Ltmp4, $2  }
0x67: {  	_ =	sdelay $0x2  }
0x68: {  	s15 =	sadd.s32 $0x1, s16  }
0x69: {  	p0 =	seq.s32 s16, $0x2F  }
.Ltmp5:
0x6a: {  	_ = 	snop;
	(pc) =	sbr.rel @p0 .LBB2_6-.Ltmp5, $1  }
0x6b: {  	_ =	sdelay $0x3  }
0x6c: {  	s17 =	sxor.u32 $0xFFFFFFFF, s16  }
0x6d: {  	s17 =	sand.u32 $0x1, s17  }
0x6e: {  	s17 =	sadd.s32 $0x3, s17  }
0x6f: {  	_ =	swait.ge [sflag:s17], $0x1C00  }
0x70: {  	[sflag:s17] =	ssyncset.done $0x0  }
0x71: {  	[sflag:s17] =	ssyncadd.s32 $0xFFFFE400  }
0x72: {  	_ =	swait.ge [sflag:s17], $0x1C00  }
0x73: {  	[sflag:s17] =	ssyncset.done $0x0  }
0x74: {  	[sflag:s17] =	ssyncadd.s32 $0xFFFFE400  }
0x75: {  	_ =	swait.ge [sflag:s17], $0x1C00  }
0x76: {  	[sflag:s17] =	ssyncset.done $0x0  }
0x77: {  	[sflag:s17] =	ssyncadd.s32 $0xFFFFE400  }
0x78: {  	_ =	swait.ge [sflag:s17], $0x1C00  }
0x79: {  	[sflag:s17] =	ssyncset.done $0x0  }
0x7a: {  	[sflag:s17] =	ssyncadd.s32 $0xFFFFE400  }
0x7b: {  	_ =	swait.ge [sflag:s17], $0x1C00  }
0x7c: {  	[sflag:s17] =	ssyncset.done $0x0  }
0x7d: {  	[sflag:s17] =	ssyncadd.s32 $0xFFFFE400  }
0x7e: {  	_ =	swait.ge [sflag:s17], $0x1C00  }
0x7f: {  	[sflag:s17] =	ssyncset.done $0x0  }
0x80: {  	[sflag:s17] =	ssyncadd.s32 $0xFFFFE400  }
0x81: {  	_ =	swait.ge [sflag:s17], $0x1C00  }
.Ltmp6:
0x82: {  	[sflag:s17] =	ssyncset.done $0x0;
	(pc) =	sbr.rel .LBB2_5-.Ltmp6, $4  }
0x83: {  	[sflag:s17] =	ssyncadd.s32 $0xFFFFE400  }
0x84: {  	_ =	swait.ge [sflag:s17], $0x1C00  }
0x85: {  	[sflag:s17] =	ssyncset.done $0x0  }
0x86: {  	[sflag:s17] =	ssyncadd.s32 $0xFFFFE400  }
.LBB2_8:
0x87: {  	_ =	sfence.sel $0x180000  }
0x88: {  	[bflag:$0x0] =	sbarrier.arrive $0xFFFF  }
0x89: {  	p0 =	sne.s32 s0, $0x0;
	_ =	strace $0x90000047  }
0x8a: {  	s0 =	sadd.s32 @!p0 $0x100000, s1;
	[bflag:$0x2] =	sbarrier.arrive $0xFFFF  }
0x8b: {  	[sflag:s0] =	ssyncadd.tile.s32 @!p0 $0x1;
	_ =	shalt  }
.Lfunc_end2:
_tile_overlayer_lowered:
.L_overlay_start_2:
0x8c: {  	(tag) =	ssettag $0x2  }
0x8d: {  	s0 =	rddreg [dreg:$0x0];
	s2 =	stileid.u32  }
0x8e: {  	s1 =	rddreg [dreg:$0x1];
	p0 =	sne.s32 s2, $0x0  }
0x8f: {  	s3 =	rddreg [dreg:$0x2];
	[bflag:$0x3] =	sbarrier.arrive $0xFFFF;
	s2 =	simm.s32 @!p0 $0x1C05  }
0x90: {  	[timem:s3], [sflag:s2] =	dma.local @!p0 [hbm:s0], s1  }
0x91: {  	s0 =	simm.s32 @!p0 $0x5  }
0x92: {  	_ =	swait.ge @!p0 [sflag:s0], s1  }
0x93: {  	s1 =	ssub.s32 @!p0 $0x0, s1;
	[sflag:s0] =	ssyncset.done @!p0 $0x0  }
0x94: {  	[sflag:s0] =	ssyncadd.s32 @!p0 s1  }
0x95: {  	[bflag:$0x3] =	sbarrier.arrive $0xFFFF  }
0x96: {  	_ =	shalt  }

</sc_bundles>
